<compile_context>
chip_gen: v7x
topology: tpu7x:2x2x1
jax: 0.10.2.dev20260603
libtpu: 0.0.44.dev20260713+nightly
codegen_flags: <defaults>
</compile_context>

<pallas_src>
import functools

import jax
import jax.numpy as jnp
from jax import lax
from jax.experimental import pallas as pl
from jax.experimental.pallas import tpu as pltpu
from jax.experimental.pallas import tpu_sc as plsc

_THRESHOLD = 0.5
_NEGPOS_RATIO = 3
_V0 = 0.1
_V1 = 0.2


def _smooth_l1(x):
    ax = jnp.abs(x)
    return jnp.where(ax < 1.0, 0.5 * x * x, ax - 0.5)


def _row_kernel(tgt_ref, pri_ref, loc_ref, conf_ref,
                loss_c_ref, num_pos_ref, lossl_ref, posce_ref, kvec_ref):
    T = tgt_ref.shape[2]
    P = pri_ref.shape[1]
    C = conf_ref.shape[2]

    tgt = tgt_ref[0]
    tx1 = tgt[0, :][:, None]
    ty1 = tgt[1, :][:, None]
    tx2 = tgt[2, :][:, None]
    ty2 = tgt[3, :][:, None]
    tl = tgt[4, :][:, None]

    pcx = pri_ref[0, :][None, :]
    pcy = pri_ref[1, :][None, :]
    pw = pri_ref[2, :][None, :]
    ph = pri_ref[3, :][None, :]
    px1 = pcx - pw * 0.5
    py1 = pcy - ph * 0.5
    px2 = pcx + pw * 0.5
    py2 = pcy + ph * 0.5

    iw = jnp.maximum(jnp.minimum(tx2, px2) - jnp.maximum(tx1, px1), 0.0)
    ih = jnp.maximum(jnp.minimum(ty2, py2) - jnp.maximum(ty1, py1), 0.0)
    inter = iw * ih
    area_t = (tx2 - tx1) * (ty2 - ty1)
    area_p = (px2 - px1) * (py2 - py1)
    ov = inter / (area_t + area_p - inter)

    iota_p = lax.broadcasted_iota(jnp.int32, (T, P), 1)
    iota_t = lax.broadcasted_iota(jnp.int32, (T, P), 0)

    mx_t = jnp.max(ov, axis=1, keepdims=True)
    bpi = jnp.min(jnp.where(ov == mx_t, iota_p, P), axis=1)

    bto = jnp.max(ov, axis=0)
    bti = jnp.min(jnp.where(ov == bto[None, :], iota_t, T), axis=0)

    forced = bpi[:, None] == iota_p
    cand = jnp.max(jnp.where(forced, iota_t, -1), axis=0)
    bti = jnp.where(cand >= 0, cand, bti)
    bto = jnp.where(cand >= 0, 2.0, bto)

    hot = (bti[None, :] == iota_t).astype(jnp.float32)

    def gather_row(i):
        r = lax.dot_general(tgt[i:i + 1, :], hot, (((1,), (0,)), ((), ())),
                            preferred_element_type=jnp.float32)
        return r[0, :]

    mx1 = gather_row(0)
    my1 = gather_row(1)
    mx2 = gather_row(2)
    my2 = gather_row(3)
    mlab = gather_row(4)

    conf_t = jnp.where(bto < _THRESHOLD, 0, mlab.astype(jnp.int32) + 1)
    pos = conf_t > 0
    posf = pos.astype(jnp.float32)

    pw1 = pw[0, :]
    ph1 = ph[0, :]
    rpw = 1.0 / pw1
    rph = 1.0 / ph1
    gx = ((mx1 + mx2) * 0.5 - pcx[0, :]) * (rpw * (1.0 / _V0))
    gy = ((my1 + my2) * 0.5 - pcy[0, :]) * (rph * (1.0 / _V0))
    gw = jnp.log((mx2 - mx1) * rpw) * (1.0 / _V1)
    gh = jnp.log((my2 - my1) * rph) * (1.0 / _V1)

    loc = loc_ref[0]
    sm = (_smooth_l1(loc[0, :] - gx) + _smooth_l1(loc[1, :] - gy)
          + _smooth_l1(loc[2, :] - gw) + _smooth_l1(loc[3, :] - gh))
    lossl_ref[0] = jnp.sum((sm * posf)[None, :], axis=1, keepdims=True)
    npos = jnp.sum(posf[None, :], axis=1, keepdims=True)
    num_pos_ref[0] = npos
    kvec_ref[0] = jnp.broadcast_to(
        jnp.minimum(_NEGPOS_RATIO * npos, float(P - 1)), (1, 16))

    x = conf_ref[0]
    e = jnp.exp(x)
    iota_c = lax.broadcasted_iota(jnp.int32, (P, C), 1)
    xoh = jnp.where(iota_c == conf_t[:, None], x, 0.0)
    ones_c = jnp.ones((C, 1), jnp.float32)
    s = lax.dot_general(e, ones_c, (((1,), (0,)), ((), ())),
                        preferred_element_type=jnp.float32)
    gathered = lax.dot_general(xoh, ones_c, (((1,), (0,)), ((), ())),
                               preferred_element_type=jnp.float32)[:, 0]
    lse = jnp.log(s)[:, 0]
    ce = lse - gathered

    posce_ref[0] = jnp.sum(jnp.where(pos, ce, 0.0)[None, :], axis=1,
                           keepdims=True)
    loss_c_ref[0, 0, :] = jnp.where(pos, 0.0, ce)


def _make_sc_topk(B, P):
    info = plsc.get_sparse_core_info()
    NC = info.num_cores
    mesh = plsc.VectorSubcoreMesh(core_axis_name="c", subcore_axis_name="s")
    i32 = jnp.int32
    f32 = jnp.float32

    @functools.partial(
        pl.kernel, mesh=mesh,
        out_type=jax.ShapeDtypeStruct((B, 16), f32),
        compiler_params=pltpu.CompilerParams(needs_layout_passes=False),
        scratch_types=[
            pltpu.VMEM((P,), f32),
            pltpu.VMEM((16,), f32),
            pltpu.VMEM((16,), f32),
        ],
    )
    def sc_topk(lc_hbm, kvec_hbm, out_hbm, row_v, kv_v, out_v):
        w = lax.axis_index("s") * NC + lax.axis_index("c")
        pltpu.sync_copy(lc_hbm.at[w], row_v)
        pltpu.sync_copy(kvec_hbm.at[w], kv_v)
        k_v = kv_v[...]

        nv = P // 16
        lo0 = jnp.zeros((16,), i32)
        hi0 = jnp.full((16,), 0x7F800001, i32)

        def bs_step(_, carry):
            lo, hi = carry
            mid = lo + lax.shift_right_logical(hi - lo, 1)

            def cnt_body(i, acc):
                for u in range(16):
                    v = row_v[pl.ds((i * 16 + u) * 16, 16)]
                    bits = lax.bitcast_convert_type(v, i32)
                    acc = acc + plsc.all_reduce_population_count(bits >= mid)
                return acc

            cnt = lax.fori_loop(0, nv // 16, cnt_body, jnp.zeros((16,), i32))
            take = cnt.astype(f32) >= k_v
            return (jnp.where(take, mid, lo), jnp.where(take, hi, mid))

        lo, _ = lax.fori_loop(0, 31, bs_step, (lo0, hi0))
        thr_v = lax.bitcast_convert_type(lo, f32)

        def fin_body(i, carry):
            accs, accc = carry
            for u in range(8):
                v = row_v[pl.ds((i * 8 + u) * 16, 16)]
                bits = lax.bitcast_convert_type(v, i32)
                gt = bits > lo
                accs = accs + jnp.where(gt, v, 0.0)
                accc = accc + plsc.all_reduce_population_count(gt)
            return (accs, accc)

        accs, accc = lax.fori_loop(0, nv // 8, fin_body,
                                   (jnp.zeros((16,), f32),
                                    jnp.zeros((16,), i32)))
        corr = (k_v - accc.astype(f32)) * thr_v
        io = lax.iota(i32, 16)
        outv = accs + jnp.where(io == 0, corr, 0.0)
        outv = jnp.where(k_v >= 1.0, outv, 0.0)
        out_v[...] = outv
        pltpu.sync_copy(out_v, out_hbm.at[w])

    return sc_topk


def _final_kernel(topk_ref, num_pos_ref, lossl_ref, posce_ref,
                  out_l_ref, out_c_ref):
    topk = jnp.sum(topk_ref[...], axis=1, keepdims=True)
    num_pos = num_pos_ref[...]
    n = jnp.sum(num_pos, axis=0, keepdims=True)
    out_l_ref[...] = jnp.sum(lossl_ref[...], axis=0, keepdims=True) / n
    out_c_ref[...] = (jnp.sum(topk, axis=0, keepdims=True)
                      + jnp.sum(posce_ref[...], axis=0, keepdims=True)) / n


@jax.jit
def kernel(loc_data, conf_data, priors, targets):
    B, P, C = conf_data.shape
    T = targets.shape[1]
    f32 = jnp.float32

    tgt_t = jnp.transpose(targets, (0, 2, 1))
    loc_t = jnp.transpose(loc_data, (0, 2, 1))
    pri_t = jnp.transpose(priors, (1, 0))

    loss_c = pl.pallas_call(
        _row_kernel,
        grid=(B,),
        in_specs=[
            pl.BlockSpec((1, 5, T), lambda b: (b, 0, 0)),
            pl.BlockSpec((4, P), lambda b: (0, 0)),
            pl.BlockSpec((1, 4, P), lambda b: (b, 0, 0)),
            pl.BlockSpec((1, P, C), lambda b: (b, 0, 0)),
        ],
        out_specs=[
            pl.BlockSpec((1, 1, P), lambda b: (b, 0, 0)),
            pl.BlockSpec((1, 1, 1), lambda b: (b, 0, 0)),
            pl.BlockSpec((1, 1, 1), lambda b: (b, 0, 0)),
            pl.BlockSpec((1, 1, 1), lambda b: (b, 0, 0)),
            pl.BlockSpec((1, 1, 16), lambda b: (b, 0, 0)),
        ],
        out_shape=[
            jax.ShapeDtypeStruct((B, 1, P), f32),
            jax.ShapeDtypeStruct((B, 1, 1), f32),
            jax.ShapeDtypeStruct((B, 1, 1), f32),
            jax.ShapeDtypeStruct((B, 1, 1), f32),
            jax.ShapeDtypeStruct((B, 1, 16), f32),
        ],
    )(tgt_t, pri_t, loc_t, conf_data)
    loss_c, num_pos, lossl, posce, kvec = (
        loss_c[0], loss_c[1], loss_c[2], loss_c[3], loss_c[4])
    loss_c = loss_c.reshape(B, P)
    num_pos = num_pos.reshape(B, 1)
    lossl = lossl.reshape(B, 1)
    posce = posce.reshape(B, 1)

    topk_rows = _make_sc_topk(B, P)(loss_c, kvec.reshape(B, 16))

    out_l, out_c = pl.pallas_call(
        _final_kernel,
        out_shape=[jax.ShapeDtypeStruct((1, 1), f32),
                   jax.ShapeDtypeStruct((1, 1), f32)],
    )(topk_rows, num_pos.reshape(B, 1), lossl.reshape(B, 1),
      posce.reshape(B, 1))

    return out_l[0, 0], out_c[0, 0]

# --- scband reference (transcript-rebuilt; emitter-appended) ---
"""Pipeline reference for scband-refine-multi-box-loss-51582557225274 (READ-ONLY COPY).

The authoritative reference and input builder live on the scoring server;
editing this copy changes nothing except your own understanding.
"""

import jax, jax.numpy as jnp
import numpy as np

NUM_CLASSES = 81
THRESHOLD = 0.5
NEGPOS_RATIO = 3
VARIANCES = (0.1, 0.2)


def point_form(boxes):
    return jnp.concatenate([boxes[:, :2] - boxes[:, 2:] / 2.0,
                            boxes[:, :2] + boxes[:, 2:] / 2.0], axis=1)


def intersect(box_a, box_b):
    max_xy = jnp.minimum(box_a[:, None, 2:], box_b[None, :, 2:])
    min_xy = jnp.maximum(box_a[:, None, :2], box_b[None, :, :2])
    inter = jnp.clip(max_xy - min_xy, 0.0, None)
    return inter[..., 0] * inter[..., 1]


def jaccard(box_a, box_b):
    inter = intersect(box_a, box_b)
    area_a = ((box_a[:, 2] - box_a[:, 0]) * (box_a[:, 3] - box_a[:, 1]))[:, None]
    area_b = ((box_b[:, 2] - box_b[:, 0]) * (box_b[:, 3] - box_b[:, 1]))[None, :]
    union = area_a + area_b - inter
    return inter / union


def encode(matched, priors, variances):
    g_cxcy = (matched[:, :2] + matched[:, 2:]) / 2.0 - priors[:, :2]
    g_cxcy = g_cxcy / (variances[0] * priors[:, 2:])
    g_wh = (matched[:, 2:] - matched[:, :2]) / priors[:, 2:]
    g_wh = jnp.log(g_wh) / variances[1]
    return jnp.concatenate([g_cxcy, g_wh], axis=1)


def match_single(truths, labels, priors):
    # truths: [T,4] point-form, labels: [T], priors: [P,4] center-form
    overlaps = jaccard(truths, point_form(priors))            # [T, P]
    best_prior_idx = jnp.argmax(overlaps, axis=1)             # [T]
    best_truth_overlap = jnp.max(overlaps, axis=0)            # [P]
    best_truth_idx = jnp.argmax(overlaps, axis=0)             # [P]
    best_truth_overlap = best_truth_overlap.at[best_prior_idx].set(2.0)
    best_truth_idx = best_truth_idx.at[best_prior_idx].set(jnp.arange(truths.shape[0]))
    matches = truths[best_truth_idx]                          # [P,4]
    conf = labels[best_truth_idx].astype(jnp.int32) + 1       # [P]
    conf = jnp.where(best_truth_overlap < THRESHOLD, 0, conf)
    loc = encode(matches, priors, VARIANCES)
    return loc, conf


def smooth_l1(x):
    ax = jnp.abs(x)
    return jnp.where(ax < 1.0, 0.5 * x * x, ax - 0.5)


def log_sum_exp(x):
    # matches ssd.pytorch: global max for numerical stability
    x_max = jnp.max(x)
    return jnp.log(jnp.sum(jnp.exp(x - x_max), axis=1, keepdims=True)) + x_max


def _forward(loc_data, conf_data, priors, targets):
    num = loc_data.shape[0]
    num_priors = priors.shape[0]
    # match() loop over batch -> vmap; targets[..., :4] boxes, targets[..., 4] labels
    loc_t, conf_t = jax.vmap(lambda t: match_single(t[:, :-1], t[:, -1], priors))(targets)
    loc_t = jax.lax.stop_gradient(loc_t)
    conf_t = jax.lax.stop_gradient(conf_t)
    pos = conf_t > 0                                          # [B, P]
    num_pos = jnp.sum(pos.astype(jnp.int32), axis=1, keepdims=True)
    N = jnp.sum(num_pos).astype(jnp.float32)
    # localization loss: smooth L1 over positive priors, sum reduction
    diff = loc_data - loc_t
    loss_l = jnp.sum(smooth_l1(diff) * pos[..., None].astype(loc_data.dtype))
    # hard negative mining
    batch_conf = conf_data.reshape(-1, NUM_CLASSES)
    ce_all = log_sum_exp(batch_conf) - jnp.take_along_axis(batch_conf, conf_t.reshape(-1, 1), axis=1)
    loss_c = jnp.where(pos.reshape(-1, 1), 0.0, ce_all)
    loss_c = loss_c.reshape(num, -1)
    loss_idx = jnp.argsort(-loss_c, axis=1)                   # descending sort indices
    idx_rank = jnp.argsort(loss_idx, axis=1)
    num_neg = jnp.minimum(NEGPOS_RATIO * num_pos, pos.shape[1] - 1)
    neg = idx_rank < num_neg
    sel = jnp.logical_or(pos, neg)                            # (pos + neg).gt(0)
    ce_bp = ce_all.reshape(num, -1)
    loss_c_final = jnp.sum(ce_bp * sel.astype(conf_data.dtype))
    return loss_l / N, loss_c_final / N


def setup_inputs(seed: int = 0):
    key = jax.random.key(seed)
    B, P, T, C = 32, 16384, 32, NUM_CLASSES
    k1, k2, k3, k4, k5, k6 = jax.random.split(key, 6)
    loc_data = jax.random.normal(k1, (B, P, 4), dtype=jnp.float32)
    conf_data = jax.random.normal(k2, (B, P, C), dtype=jnp.float32)
    # priors in center-size form (cx, cy, w, h)
    pcxy = jax.random.uniform(k3, (P, 2), minval=0.05, maxval=0.95, dtype=jnp.float32)
    pwh = jax.random.uniform(k4, (P, 2), minval=0.05, maxval=0.4, dtype=jnp.float32)
    priors = jnp.concatenate([pcxy, pwh], axis=1)
    # ground-truth boxes in point form with class label in last column
    tcxy = jax.random.uniform(k5, (B, T, 2), minval=0.2, maxval=0.8, dtype=jnp.float32)
    twh = jax.random.uniform(jax.random.fold_in(k5, 1), (B, T, 2), minval=0.05, maxval=0.3, dtype=jnp.float32)
    boxes = jnp.concatenate([tcxy - twh / 2.0, tcxy + twh / 2.0], axis=2)
    labels = jax.random.randint(k6, (B, T, 1), 0, C - 1).astype(jnp.float32)
    targets = jnp.concatenate([boxes, labels], axis=2)
    return {"loc_data": loc_data, "conf_data": conf_data, "priors": priors, "targets": targets}


def reference(loc_data, conf_data, priors, targets):
    return _forward(loc_data, conf_data, priors, targets)

if __name__ == "__main__":
    import jax
    _d = setup_inputs()
    print(jax.jit(kernel)(*tuple(_d.values())))

</pallas_src>

<mosaic_0001>
#map = affine_map<(d0, d1) -> (0, 0)>
module attributes {stable_mosaic.version = 14 : i64} {
  func.func @sc_topk(%arg0: i32, %arg1: i32, %arg2: memref<32x16384xf32, #tpu.memory_space<hbm>>, %arg3: memref<32x16xf32, #tpu.memory_space<hbm>>, %arg4: memref<32x16xf32, #tpu.memory_space<hbm>>, %arg5: memref<16384xf32, #tpu.memory_space<vmem>>, %arg6: memref<16xf32, #tpu.memory_space<vmem>>, %arg7: memref<16xf32, #tpu.memory_space<vmem>>) attributes {dimension_semantics = [#tpu.dimension_semantics<core_parallel>, #tpu.dimension_semantics<subcore_parallel>], iteration_bounds = array<i64: 2, 16>, scalar_prefetch = 0 : i64, scratch_operands = 3 : i64, tpu.core_type = #tpu.core_type<sc_vector_subcore>, window_params = [{transform_indices = #map}, {transform_indices = #map}, {transform_indices = #map}]} {
    %mul3A = arith.constant 2 : i32
    %mul3A_0 = arith.muli %arg1, %mul3A : i32
    %add3A = arith.addi %mul3A_0, %arg0 : i32
    "tpu.region"() ({
      %run_scoped3A = tpu.sem_alloc : memref<!tpu.dma_semaphore, #tpu.memory_space<semaphore_mem>>
      %dma_start3A = arith.constant 0 : i32
      %dma_start3A_31 = tpu.memref_slice %arg2[%add3A, %dma_start3A] : memref<32x16384xf32, #tpu.memory_space<hbm>> -> memref<1x16384xf32, #tpu.memory_space<hbm>>
      %dma_start3A_32 = tpu.memref_squeeze %dma_start3A_31 : memref<1x16384xf32, #tpu.memory_space<hbm>> -> memref<16384xf32, #tpu.memory_space<hbm>>
      %dma_start3A_33 = arith.constant 0 : i32
      %dma_start3A_34 = tpu.memref_slice %arg2[%add3A, %dma_start3A_33] : memref<32x16384xf32, #tpu.memory_space<hbm>> -> memref<1x16384xf32, #tpu.memory_space<hbm>>
      %dma_start3A_35 = tpu.memref_squeeze %dma_start3A_34 : memref<1x16384xf32, #tpu.memory_space<hbm>> -> memref<16384xf32, #tpu.memory_space<hbm>>
      tpu.enqueue_dma source(%dma_start3A_35 : memref<16384xf32, #tpu.memory_space<hbm>>) target(%arg5 : memref<16384xf32, #tpu.memory_space<vmem>>) target_semaphore(%run_scoped3A : memref<!tpu.dma_semaphore, #tpu.memory_space<semaphore_mem>>)
      %dma_wait3A = arith.constant 0 : i32
      %dma_wait3A_36 = tpu.memref_slice %arg2[%add3A, %dma_wait3A] : memref<32x16384xf32, #tpu.memory_space<hbm>> -> memref<1x16384xf32, #tpu.memory_space<hbm>>
      %dma_wait3A_37 = tpu.memref_squeeze %dma_wait3A_36 : memref<1x16384xf32, #tpu.memory_space<hbm>> -> memref<16384xf32, #tpu.memory_space<hbm>>
      %dma_wait3A_38 = arith.constant 0 : i32
      %dma_wait3A_39 = tpu.memref_slice %arg2[%add3A, %dma_wait3A_38] : memref<32x16384xf32, #tpu.memory_space<hbm>> -> memref<1x16384xf32, #tpu.memory_space<hbm>>
      %dma_wait3A_40 = tpu.memref_squeeze %dma_wait3A_39 : memref<1x16384xf32, #tpu.memory_space<hbm>> -> memref<16384xf32, #tpu.memory_space<hbm>>
      tpu.wait_dma2 semaphore(%run_scoped3A : memref<!tpu.dma_semaphore, #tpu.memory_space<semaphore_mem>>) src(%dma_wait3A_40 : memref<16384xf32, #tpu.memory_space<hbm>>) dst(%arg5 : memref<16384xf32, #tpu.memory_space<vmem>>)
      tpu.yield
    }) : () -> ()
    "tpu.region"() ({
      %run_scoped3A = tpu.sem_alloc : memref<!tpu.dma_semaphore, #tpu.memory_space<semaphore_mem>>
      %dma_start3A = arith.constant 0 : i32
      %dma_start3A_31 = tpu.memref_slice %arg3[%add3A, %dma_start3A] : memref<32x16xf32, #tpu.memory_space<hbm>> -> memref<1x16xf32, #tpu.memory_space<hbm>>
      %dma_start3A_32 = tpu.memref_squeeze %dma_start3A_31 : memref<1x16xf32, #tpu.memory_space<hbm>> -> memref<16xf32, #tpu.memory_space<hbm>>
      %dma_start3A_33 = arith.constant 0 : i32
      %dma_start3A_34 = tpu.memref_slice %arg3[%add3A, %dma_start3A_33] : memref<32x16xf32, #tpu.memory_space<hbm>> -> memref<1x16xf32, #tpu.memory_space<hbm>>
      %dma_start3A_35 = tpu.memref_squeeze %dma_start3A_34 : memref<1x16xf32, #tpu.memory_space<hbm>> -> memref<16xf32, #tpu.memory_space<hbm>>
      tpu.enqueue_dma source(%dma_start3A_35 : memref<16xf32, #tpu.memory_space<hbm>>) target(%arg6 : memref<16xf32, #tpu.memory_space<vmem>>) target_semaphore(%run_scoped3A : memref<!tpu.dma_semaphore, #tpu.memory_space<semaphore_mem>>)
      %dma_wait3A = arith.constant 0 : i32
      %dma_wait3A_36 = tpu.memref_slice %arg3[%add3A, %dma_wait3A] : memref<32x16xf32, #tpu.memory_space<hbm>> -> memref<1x16xf32, #tpu.memory_space<hbm>>
      %dma_wait3A_37 = tpu.memref_squeeze %dma_wait3A_36 : memref<1x16xf32, #tpu.memory_space<hbm>> -> memref<16xf32, #tpu.memory_space<hbm>>
      %dma_wait3A_38 = arith.constant 0 : i32
      %dma_wait3A_39 = tpu.memref_slice %arg3[%add3A, %dma_wait3A_38] : memref<32x16xf32, #tpu.memory_space<hbm>> -> memref<1x16xf32, #tpu.memory_space<hbm>>
      %dma_wait3A_40 = tpu.memref_squeeze %dma_wait3A_39 : memref<1x16xf32, #tpu.memory_space<hbm>> -> memref<16xf32, #tpu.memory_space<hbm>>
      tpu.wait_dma2 semaphore(%run_scoped3A : memref<!tpu.dma_semaphore, #tpu.memory_space<semaphore_mem>>) src(%dma_wait3A_40 : memref<16xf32, #tpu.memory_space<hbm>>) dst(%arg6 : memref<16xf32, #tpu.memory_space<vmem>>)
      tpu.yield
    }) : () -> ()
    %get3A = arith.constant 0 : index
    %get3A_1 = tpu.vector_load %arg6[%get3A] {strides = array<i32>} : memref<16xf32, #tpu.memory_space<vmem>>, vector<16xf32>,
    %broadcast_in_dim3A = arith.constant 0 : i32
    %broadcast_in_dim3A_2 = vector.broadcast %broadcast_in_dim3A : i32 to vector<16xi32>
    %broadcast_in_dim3A_3 = arith.constant 2139095041 : i32
    %broadcast_in_dim3A_4 = vector.broadcast %broadcast_in_dim3A_3 : i32 to vector<16xi32>
    %scan3A = arith.constant 0 : i32
    %scan3A_5 = arith.constant 31 : i32
    %scan3A_6 = arith.addi %scan3A, %scan3A_5 : i32
    %scan3A_7 = arith.constant 1 : i32
    %scan3A_8:2 = scf.for %scan3A_31 = %scan3A to %scan3A_6 step %scan3A_7 iter_args(%scan3A_32 = %broadcast_in_dim3A_2, %scan3A_33 = %broadcast_in_dim3A_4) -> (vector<16xi32>, vector<16xi32>)  : i32 {
      %sub3A_34 = arith.subi %scan3A_33, %scan3A_32 : vector<16xi32>
      %shift_right_logical3A = arith.constant 1 : i32
      %shift_right_logical3A_35 = vector.broadcast %shift_right_logical3A : i32 to vector<16xi32>
      %shift_right_logical3A_36 = arith.shrui %sub3A_34, %shift_right_logical3A_35 : vector<16xi32>
      %add3A_37 = arith.addi %scan3A_32, %shift_right_logical3A_36 : vector<16xi32>
      %broadcast_in_dim3A_38 = arith.constant 0 : i32
      %broadcast_in_dim3A_39 = vector.broadcast %broadcast_in_dim3A_38 : i32 to vector<16xi32>
      %scan3A_40 = arith.constant 0 : i32
      %scan3A_41 = arith.constant 64 : i32
      %scan3A_42 = arith.addi %scan3A_40, %scan3A_41 : i32
      %scan3A_43 = arith.constant 1 : i32
      %scan3A_44 = scf.for %scan3A_50 = %scan3A_40 to %scan3A_42 step %scan3A_43 iter_args(%scan3A_51 = %broadcast_in_dim3A_39) -> (vector<16xi32>)  : i32 {
        %mul3A_52 = arith.constant 16 : i32
        %mul3A_53 = arith.muli %scan3A_50, %mul3A_52 : i32
        %add3A_54 = arith.constant 0 : i32
        %add3A_55 = arith.addi %mul3A_53, %add3A_54 : i32
        %mul3A_56 = arith.constant 16 : i32
        %mul3A_57 = arith.muli %add3A_55, %mul3A_56 : i32
        %get3A_58 = arith.index_cast %mul3A_57 : i32 to index
        %get3A_59 = tpu.vector_load %arg5[%get3A_58] {strides = array<i32>} : memref<16384xf32, #tpu.memory_space<vmem>>, vector<16xf32>,
        %bitcast_convert_type3A_60 = tpu.bitcast %get3A_59 : vector<16xf32> -> vector<16xi32>
        %ge3A_61 = arith.cmpi sge, %bitcast_convert_type3A_60, %add3A_37 : vector<16xi32>
        %all_reduce_population_count3A = tpu.all_reduce %ge3A_61 {dim = 0 : i64, kind = #tpu.reduction_kind<sum>} : vector<16xi1> -> vector<16xi32>
        %add3A_62 = arith.addi %scan3A_51, %all_reduce_population_count3A : vector<16xi32>
        %mul3A_63 = arith.constant 16 : i32
        %mul3A_64 = arith.muli %scan3A_50, %mul3A_63 : i32
        %add3A_65 = arith.constant 1 : i32
        %add3A_66 = arith.addi %mul3A_64, %add3A_65 : i32
        %mul3A_67 = arith.constant 16 : i32
        %mul3A_68 = arith.muli %add3A_66, %mul3A_67 : i32
        %get3A_69 = arith.index_cast %mul3A_68 : i32 to index
        %get3A_70 = tpu.vector_load %arg5[%get3A_69] {strides = array<i32>} : memref<16384xf32, #tpu.memory_space<vmem>>, vector<16xf32>,
        %bitcast_convert_type3A_71 = tpu.bitcast %get3A_70 : vector<16xf32> -> vector<16xi32>
        %ge3A_72 = arith.cmpi sge, %bitcast_convert_type3A_71, %add3A_37 : vector<16xi32>
        %all_reduce_population_count3A_73 = tpu.all_reduce %ge3A_72 {dim = 0 : i64, kind = #tpu.reduction_kind<sum>} : vector<16xi1> -> vector<16xi32>
        %add3A_74 = arith.addi %add3A_62, %all_reduce_population_count3A_73 : vector<16xi32>
        %mul3A_75 = arith.constant 16 : i32
        %mul3A_76 = arith.muli %scan3A_50, %mul3A_75 : i32
        %add3A_77 = arith.constant 2 : i32
        %add3A_78 = arith.addi %mul3A_76, %add3A_77 : i32
        %mul3A_79 = arith.constant 16 : i32
        %mul3A_80 = arith.muli %add3A_78, %mul3A_79 : i32
        %get3A_81 = arith.index_cast %mul3A_80 : i32 to index
        %get3A_82 = tpu.vector_load %arg5[%get3A_81] {strides = array<i32>} : memref<16384xf32, #tpu.memory_space<vmem>>, vector<16xf32>,
        %bitcast_convert_type3A_83 = tpu.bitcast %get3A_82 : vector<16xf32> -> vector<16xi32>
        %ge3A_84 = arith.cmpi sge, %bitcast_convert_type3A_83, %add3A_37 : vector<16xi32>
        %all_reduce_population_count3A_85 = tpu.all_reduce %ge3A_84 {dim = 0 : i64, kind = #tpu.reduction_kind<sum>} : vector<16xi1> -> vector<16xi32>
        %add3A_86 = arith.addi %add3A_74, %all_reduce_population_count3A_85 : vector<16xi32>
        %mul3A_87 = arith.constant 16 : i32
        %mul3A_88 = arith.muli %scan3A_50, %mul3A_87 : i32
        %add3A_89 = arith.constant 3 : i32
        %add3A_90 = arith.addi %mul3A_88, %add3A_89 : i32
        %mul3A_91 = arith.constant 16 : i32
        %mul3A_92 = arith.muli %add3A_90, %mul3A_91 : i32
        %get3A_93 = arith.index_cast %mul3A_92 : i32 to index
        %get3A_94 = tpu.vector_load %arg5[%get3A_93] {strides = array<i32>} : memref<16384xf32, #tpu.memory_space<vmem>>, vector<16xf32>,
        %bitcast_convert_type3A_95 = tpu.bitcast %get3A_94 : vector<16xf32> -> vector<16xi32>
        %ge3A_96 = arith.cmpi sge, %bitcast_convert_type3A_95, %add3A_37 : vector<16xi32>
        %all_reduce_population_count3A_97 = tpu.all_reduce %ge3A_96 {dim = 0 : i64, kind = #tpu.reduction_kind<sum>} : vector<16xi1> -> vector<16xi32>
        %add3A_98 = arith.addi %add3A_86, %all_reduce_population_count3A_97 : vector<16xi32>
        %mul3A_99 = arith.constant 16 : i32
        %mul3A_100 = arith.muli %scan3A_50, %mul3A_99 : i32
        %add3A_101 = arith.constant 4 : i32
        %add3A_102 = arith.addi %mul3A_100, %add3A_101 : i32
        %mul3A_103 = arith.constant 16 : i32
        %mul3A_104 = arith.muli %add3A_102, %mul3A_103 : i32
        %get3A_105 = arith.index_cast %mul3A_104 : i32 to index
        %get3A_106 = tpu.vector_load %arg5[%get3A_105] {strides = array<i32>} : memref<16384xf32, #tpu.memory_space<vmem>>, vector<16xf32>,
        %bitcast_convert_type3A_107 = tpu.bitcast %get3A_106 : vector<16xf32> -> vector<16xi32>
        %ge3A_108 = arith.cmpi sge, %bitcast_convert_type3A_107, %add3A_37 : vector<16xi32>
        %all_reduce_population_count3A_109 = tpu.all_reduce %ge3A_108 {dim = 0 : i64, kind = #tpu.reduction_kind<sum>} : vector<16xi1> -> vector<16xi32>
        %add3A_110 = arith.addi %add3A_98, %all_reduce_population_count3A_109 : vector<16xi32>
        %mul3A_111 = arith.constant 16 : i32
        %mul3A_112 = arith.muli %scan3A_50, %mul3A_111 : i32
        %add3A_113 = arith.constant 5 : i32
        %add3A_114 = arith.addi %mul3A_112, %add3A_113 : i32
        %mul3A_115 = arith.constant 16 : i32
        %mul3A_116 = arith.muli %add3A_114, %mul3A_115 : i32
        %get3A_117 = arith.index_cast %mul3A_116 : i32 to index
        %get3A_118 = tpu.vector_load %arg5[%get3A_117] {strides = array<i32>} : memref<16384xf32, #tpu.memory_space<vmem>>, vector<16xf32>,
        %bitcast_convert_type3A_119 = tpu.bitcast %get3A_118 : vector<16xf32> -> vector<16xi32>
        %ge3A_120 = arith.cmpi sge, %bitcast_convert_type3A_119, %add3A_37 : vector<16xi32>
        %all_reduce_population_count3A_121 = tpu.all_reduce %ge3A_120 {dim = 0 : i64, kind = #tpu.reduction_kind<sum>} : vector<16xi1> -> vector<16xi32>
        %add3A_122 = arith.addi %add3A_110, %all_reduce_population_count3A_121 : vector<16xi32>
        %mul3A_123 = arith.constant 16 : i32
        %mul3A_124 = arith.muli %scan3A_50, %mul3A_123 : i32
        %add3A_125 = arith.constant 6 : i32
        %add3A_126 = arith.addi %mul3A_124, %add3A_125 : i32
        %mul3A_127 = arith.constant 16 : i32
        %mul3A_128 = arith.muli %add3A_126, %mul3A_127 : i32
        %get3A_129 = arith.index_cast %mul3A_128 : i32 to index
        %get3A_130 = tpu.vector_load %arg5[%get3A_129] {strides = array<i32>} : memref<16384xf32, #tpu.memory_space<vmem>>, vector<16xf32>,
        %bitcast_convert_type3A_131 = tpu.bitcast %get3A_130 : vector<16xf32> -> vector<16xi32>
        %ge3A_132 = arith.cmpi sge, %bitcast_convert_type3A_131, %add3A_37 : vector<16xi32>
        %all_reduce_population_count3A_133 = tpu.all_reduce %ge3A_132 {dim = 0 : i64, kind = #tpu.reduction_kind<sum>} : vector<16xi1> -> vector<16xi32>
        %add3A_134 = arith.addi %add3A_122, %all_reduce_population_count3A_133 : vector<16xi32>
        %mul3A_135 = arith.constant 16 : i32
        %mul3A_136 = arith.muli %scan3A_50, %mul3A_135 : i32
        %add3A_137 = arith.constant 7 : i32
        %add3A_138 = arith.addi %mul3A_136, %add3A_137 : i32
        %mul3A_139 = arith.constant 16 : i32
        %mul3A_140 = arith.muli %add3A_138, %mul3A_139 : i32
        %get3A_141 = arith.index_cast %mul3A_140 : i32 to index
        %get3A_142 = tpu.vector_load %arg5[%get3A_141] {strides = array<i32>} : memref<16384xf32, #tpu.memory_space<vmem>>, vector<16xf32>,
        %bitcast_convert_type3A_143 = tpu.bitcast %get3A_142 : vector<16xf32> -> vector<16xi32>
        %ge3A_144 = arith.cmpi sge, %bitcast_convert_type3A_143, %add3A_37 : vector<16xi32>
        %all_reduce_population_count3A_145 = tpu.all_reduce %ge3A_144 {dim = 0 : i64, kind = #tpu.reduction_kind<sum>} : vector<16xi1> -> vector<16xi32>
        %add3A_146 = arith.addi %add3A_134, %all_reduce_population_count3A_145 : vector<16xi32>
        %mul3A_147 = arith.constant 16 : i32
        %mul3A_148 = arith.muli %scan3A_50, %mul3A_147 : i32
        %add3A_149 = arith.constant 8 : i32
        %add3A_150 = arith.addi %mul3A_148, %add3A_149 : i32
        %mul3A_151 = arith.constant 16 : i32
        %mul3A_152 = arith.muli %add3A_150, %mul3A_151 : i32
        %get3A_153 = arith.index_cast %mul3A_152 : i32 to index
        %get3A_154 = tpu.vector_load %arg5[%get3A_153] {strides = array<i32>} : memref<16384xf32, #tpu.memory_space<vmem>>, vector<16xf32>,
        %bitcast_convert_type3A_155 = tpu.bitcast %get3A_154 : vector<16xf32> -> vector<16xi32>
        %ge3A_156 = arith.cmpi sge, %bitcast_convert_type3A_155, %add3A_37 : vector<16xi32>
        %all_reduce_population_count3A_157 = tpu.all_reduce %ge3A_156 {dim = 0 : i64, kind = #tpu.reduction_kind<sum>} : vector<16xi1> -> vector<16xi32>
        %add3A_158 = arith.addi %add3A_146, %all_reduce_population_count3A_157 : vector<16xi32>
        %mul3A_159 = arith.constant 16 : i32
        %mul3A_160 = arith.muli %scan3A_50, %mul3A_159 : i32
        %add3A_161 = arith.constant 9 : i32
        %add3A_162 = arith.addi %mul3A_160, %add3A_161 : i32
        %mul3A_163 = arith.constant 16 : i32
        %mul3A_164 = arith.muli %add3A_162, %mul3A_163 : i32
        %get3A_165 = arith.index_cast %mul3A_164 : i32 to index
        %get3A_166 = tpu.vector_load %arg5[%get3A_165] {strides = array<i32>} : memref<16384xf32, #tpu.memory_space<vmem>>, vector<16xf32>,
        %bitcast_convert_type3A_167 = tpu.bitcast %get3A_166 : vector<16xf32> -> vector<16xi32>
        %ge3A_168 = arith.cmpi sge, %bitcast_convert_type3A_167, %add3A_37 : vector<16xi32>
        %all_reduce_population_count3A_169 = tpu.all_reduce %ge3A_168 {dim = 0 : i64, kind = #tpu.reduction_kind<sum>} : vector<16xi1> -> vector<16xi32>
        %add3A_170 = arith.addi %add3A_158, %all_reduce_population_count3A_169 : vector<16xi32>
        %mul3A_171 = arith.constant 16 : i32
        %mul3A_172 = arith.muli %scan3A_50, %mul3A_171 : i32
        %add3A_173 = arith.constant 10 : i32
        %add3A_174 = arith.addi %mul3A_172, %add3A_173 : i32
        %mul3A_175 = arith.constant 16 : i32
        %mul3A_176 = arith.muli %add3A_174, %mul3A_175 : i32
        %get3A_177 = arith.index_cast %mul3A_176 : i32 to index
        %get3A_178 = tpu.vector_load %arg5[%get3A_177] {strides = array<i32>} : memref<16384xf32, #tpu.memory_space<vmem>>, vector<16xf32>,
        %bitcast_convert_type3A_179 = tpu.bitcast %get3A_178 : vector<16xf32> -> vector<16xi32>
        %ge3A_180 = arith.cmpi sge, %bitcast_convert_type3A_179, %add3A_37 : vector<16xi32>
        %all_reduce_population_count3A_181 = tpu.all_reduce %ge3A_180 {dim = 0 : i64, kind = #tpu.reduction_kind<sum>} : vector<16xi1> -> vector<16xi32>
        %add3A_182 = arith.addi %add3A_170, %all_reduce_population_count3A_181 : vector<16xi32>
        %mul3A_183 = arith.constant 16 : i32
        %mul3A_184 = arith.muli %scan3A_50, %mul3A_183 : i32
        %add3A_185 = arith.constant 11 : i32
        %add3A_186 = arith.addi %mul3A_184, %add3A_185 : i32
        %mul3A_187 = arith.constant 16 : i32
        %mul3A_188 = arith.muli %add3A_186, %mul3A_187 : i32
        %get3A_189 = arith.index_cast %mul3A_188 : i32 to index
        %get3A_190 = tpu.vector_load %arg5[%get3A_189] {strides = array<i32>} : memref<16384xf32, #tpu.memory_space<vmem>>, vector<16xf32>,
        %bitcast_convert_type3A_191 = tpu.bitcast %get3A_190 : vector<16xf32> -> vector<16xi32>
        %ge3A_192 = arith.cmpi sge, %bitcast_convert_type3A_191, %add3A_37 : vector<16xi32>
        %all_reduce_population_count3A_193 = tpu.all_reduce %ge3A_192 {dim = 0 : i64, kind = #tpu.reduction_kind<sum>} : vector<16xi1> -> vector<16xi32>
        %add3A_194 = arith.addi %add3A_182, %all_reduce_population_count3A_193 : vector<16xi32>
        %mul3A_195 = arith.constant 16 : i32
        %mul3A_196 = arith.muli %scan3A_50, %mul3A_195 : i32
        %add3A_197 = arith.constant 12 : i32
        %add3A_198 = arith.addi %mul3A_196, %add3A_197 : i32
        %mul3A_199 = arith.constant 16 : i32
        %mul3A_200 = arith.muli %add3A_198, %mul3A_199 : i32
        %get3A_201 = arith.index_cast %mul3A_200 : i32 to index
        %get3A_202 = tpu.vector_load %arg5[%get3A_201] {strides = array<i32>} : memref<16384xf32, #tpu.memory_space<vmem>>, vector<16xf32>,
        %bitcast_convert_type3A_203 = tpu.bitcast %get3A_202 : vector<16xf32> -> vector<16xi32>
        %ge3A_204 = arith.cmpi sge, %bitcast_convert_type3A_203, %add3A_37 : vector<16xi32>
        %all_reduce_population_count3A_205 = tpu.all_reduce %ge3A_204 {dim = 0 : i64, kind = #tpu.reduction_kind<sum>} : vector<16xi1> -> vector<16xi32>
        %add3A_206 = arith.addi %add3A_194, %all_reduce_population_count3A_205 : vector<16xi32>
        %mul3A_207 = arith.constant 16 : i32
        %mul3A_208 = arith.muli %scan3A_50, %mul3A_207 : i32
        %add3A_209 = arith.constant 13 : i32
        %add3A_210 = arith.addi %mul3A_208, %add3A_209 : i32
        %mul3A_211 = arith.constant 16 : i32
        %mul3A_212 = arith.muli %add3A_210, %mul3A_211 : i32
        %get3A_213 = arith.index_cast %mul3A_212 : i32 to index
        %get3A_214 = tpu.vector_load %arg5[%get3A_213] {strides = array<i32>} : memref<16384xf32, #tpu.memory_space<vmem>>, vector<16xf32>,
        %bitcast_convert_type3A_215 = tpu.bitcast %get3A_214 : vector<16xf32> -> vector<16xi32>
        %ge3A_216 = arith.cmpi sge, %bitcast_convert_type3A_215, %add3A_37 : vector<16xi32>
        %all_reduce_population_count3A_217 = tpu.all_reduce %ge3A_216 {dim = 0 : i64, kind = #tpu.reduction_kind<sum>} : vector<16xi1> -> vector<16xi32>
        %add3A_218 = arith.addi %add3A_206, %all_reduce_population_count3A_217 : vector<16xi32>
        %mul3A_219 = arith.constant 16 : i32
        %mul3A_220 = arith.muli %scan3A_50, %mul3A_219 : i32
        %add3A_221 = arith.constant 14 : i32
        %add3A_222 = arith.addi %mul3A_220, %add3A_221 : i32
        %mul3A_223 = arith.constant 16 : i32
        %mul3A_224 = arith.muli %add3A_222, %mul3A_223 : i32
        %get3A_225 = arith.index_cast %mul3A_224 : i32 to index
        %get3A_226 = tpu.vector_load %arg5[%get3A_225] {strides = array<i32>} : memref<16384xf32, #tpu.memory_space<vmem>>, vector<16xf32>,
        %bitcast_convert_type3A_227 = tpu.bitcast %get3A_226 : vector<16xf32> -> vector<16xi32>
        %ge3A_228 = arith.cmpi sge, %bitcast_convert_type3A_227, %add3A_37 : vector<16xi32>
        %all_reduce_population_count3A_229 = tpu.all_reduce %ge3A_228 {dim = 0 : i64, kind = #tpu.reduction_kind<sum>} : vector<16xi1> -> vector<16xi32>
        %add3A_230 = arith.addi %add3A_218, %all_reduce_population_count3A_229 : vector<16xi32>
        %mul3A_231 = arith.constant 16 : i32
        %mul3A_232 = arith.muli %scan3A_50, %mul3A_231 : i32
        %add3A_233 = arith.constant 15 : i32
        %add3A_234 = arith.addi %mul3A_232, %add3A_233 : i32
        %mul3A_235 = arith.constant 16 : i32
        %mul3A_236 = arith.muli %add3A_234, %mul3A_235 : i32
        %get3A_237 = arith.index_cast %mul3A_236 : i32 to index
        %get3A_238 = tpu.vector_load %arg5[%get3A_237] {strides = array<i32>} : memref<16384xf32, #tpu.memory_space<vmem>>, vector<16xf32>,
        %bitcast_convert_type3A_239 = tpu.bitcast %get3A_238 : vector<16xf32> -> vector<16xi32>
        %ge3A_240 = arith.cmpi sge, %bitcast_convert_type3A_239, %add3A_37 : vector<16xi32>
        %all_reduce_population_count3A_241 = tpu.all_reduce %ge3A_240 {dim = 0 : i64, kind = #tpu.reduction_kind<sum>} : vector<16xi1> -> vector<16xi32>
        %add3A_242 = arith.addi %add3A_230, %all_reduce_population_count3A_241 : vector<16xi32>
        scf.yield %add3A_242 : vector<16xi32>
      }
      %scan3A_45 = arith.constant 64 : i32
      %convert_element_type3A_46 = arith.sitofp %scan3A_44 : vector<16xi32> to vector<16xf32>
      %ge3A_47 = arith.cmpf oge, %convert_element_type3A_46, %get3A_1 : vector<16xf32>
      %select_n3A_48 = arith.select %ge3A_47, %add3A_37, %scan3A_32 : vector<16xi1>, vector<16xi32>
      %select_n3A_49 = arith.select %ge3A_47, %scan3A_33, %add3A_37 : vector<16xi1>, vector<16xi32>
      scf.yield %select_n3A_48, %select_n3A_49 : vector<16xi32>, vector<16xi32>
    }
    %scan3A_9 = arith.constant 31 : i32
    %bitcast_convert_type3A = tpu.bitcast %scan3A_8#0 : vector<16xi32> -> vector<16xf32>
    %broadcast_in_dim3A_10 = arith.constant 0.000000e+00 : f32
    %broadcast_in_dim3A_11 = vector.broadcast %broadcast_in_dim3A_10 : f32 to vector<16xf32>
    %broadcast_in_dim3A_12 = arith.constant 0 : i32
    %broadcast_in_dim3A_13 = vector.broadcast %broadcast_in_dim3A_12 : i32 to vector<16xi32>
    %scan3A_14 = arith.constant 0 : i32
    %scan3A_15 = arith.constant 128 : i32
    %scan3A_16 = arith.addi %scan3A_14, %scan3A_15 : i32
    %scan3A_17 = arith.constant 1 : i32
    %scan3A_18:2 = scf.for %scan3A_31 = %scan3A_14 to %scan3A_16 step %scan3A_17 iter_args(%scan3A_32 = %broadcast_in_dim3A_11, %scan3A_33 = %broadcast_in_dim3A_13) -> (vector<16xf32>, vector<16xi32>)  : i32 {
      %mul3A_34 = arith.constant 8 : i32
      %mul3A_35 = arith.muli %scan3A_31, %mul3A_34 : i32
      %add3A_36 = arith.constant 0 : i32
      %add3A_37 = arith.addi %mul3A_35, %add3A_36 : i32
      %mul3A_38 = arith.constant 16 : i32
      %mul3A_39 = arith.muli %add3A_37, %mul3A_38 : i32
      %get3A_40 = arith.index_cast %mul3A_39 : i32 to index
      %get3A_41 = tpu.vector_load %arg5[%get3A_40] {strides = array<i32>} : memref<16384xf32, #tpu.memory_space<vmem>>, vector<16xf32>,
      %bitcast_convert_type3A_42 = tpu.bitcast %get3A_41 : vector<16xf32> -> vector<16xi32>
      %gt3A = arith.cmpi sgt, %bitcast_convert_type3A_42, %scan3A_8#0 : vector<16xi32>
      %jit3A_43 = arith.constant 0.000000e+00 : f32
      %broadcast_in_dim3A_44 = vector.broadcast %jit3A_43 : f32 to vector<16xf32>
      %select_n3A_45 = arith.select %gt3A, %get3A_41, %broadcast_in_dim3A_44 : vector<16xi1>, vector<16xf32>
      %add3A_46 = arith.addf %scan3A_32, %select_n3A_45 : vector<16xf32>
      %all_reduce_population_count3A = tpu.all_reduce %gt3A {dim = 0 : i64, kind = #tpu.reduction_kind<sum>} : vector<16xi1> -> vector<16xi32>
      %add3A_47 = arith.addi %scan3A_33, %all_reduce_population_count3A : vector<16xi32>
      %mul3A_48 = arith.constant 8 : i32
      %mul3A_49 = arith.muli %scan3A_31, %mul3A_48 : i32
      %add3A_50 = arith.constant 1 : i32
      %add3A_51 = arith.addi %mul3A_49, %add3A_50 : i32
      %mul3A_52 = arith.constant 16 : i32
      %mul3A_53 = arith.muli %add3A_51, %mul3A_52 : i32
      %get3A_54 = arith.index_cast %mul3A_53 : i32 to index
      %get3A_55 = tpu.vector_load %arg5[%get3A_54] {strides = array<i32>} : memref<16384xf32, #tpu.memory_space<vmem>>, vector<16xf32>,
      %bitcast_convert_type3A_56 = tpu.bitcast %get3A_55 : vector<16xf32> -> vector<16xi32>
      %gt3A_57 = arith.cmpi sgt, %bitcast_convert_type3A_56, %scan3A_8#0 : vector<16xi32>
      %jit3A_58 = arith.constant 0.000000e+00 : f32
      %broadcast_in_dim3A_59 = vector.broadcast %jit3A_58 : f32 to vector<16xf32>
      %select_n3A_60 = arith.select %gt3A_57, %get3A_55, %broadcast_in_dim3A_59 : vector<16xi1>, vector<16xf32>
      %add3A_61 = arith.addf %add3A_46, %select_n3A_60 : vector<16xf32>
      %all_reduce_population_count3A_62 = tpu.all_reduce %gt3A_57 {dim = 0 : i64, kind = #tpu.reduction_kind<sum>} : vector<16xi1> -> vector<16xi32>
      %add3A_63 = arith.addi %add3A_47, %all_reduce_population_count3A_62 : vector<16xi32>
      %mul3A_64 = arith.constant 8 : i32
      %mul3A_65 = arith.muli %scan3A_31, %mul3A_64 : i32
      %add3A_66 = arith.constant 2 : i32
      %add3A_67 = arith.addi %mul3A_65, %add3A_66 : i32
      %mul3A_68 = arith.constant 16 : i32
      %mul3A_69 = arith.muli %add3A_67, %mul3A_68 : i32
      %get3A_70 = arith.index_cast %mul3A_69 : i32 to index
      %get3A_71 = tpu.vector_load %arg5[%get3A_70] {strides = array<i32>} : memref<16384xf32, #tpu.memory_space<vmem>>, vector<16xf32>,
      %bitcast_convert_type3A_72 = tpu.bitcast %get3A_71 : vector<16xf32> -> vector<16xi32>
      %gt3A_73 = arith.cmpi sgt, %bitcast_convert_type3A_72, %scan3A_8#0 : vector<16xi32>
      %jit3A_74 = arith.constant 0.000000e+00 : f32
      %broadcast_in_dim3A_75 = vector.broadcast %jit3A_74 : f32 to vector<16xf32>
      %select_n3A_76 = arith.select %gt3A_73, %get3A_71, %broadcast_in_dim3A_75 : vector<16xi1>, vector<16xf32>
      %add3A_77 = arith.addf %add3A_61, %select_n3A_76 : vector<16xf32>
      %all_reduce_population_count3A_78 = tpu.all_reduce %gt3A_73 {dim = 0 : i64, kind = #tpu.reduction_kind<sum>} : vector<16xi1> -> vector<16xi32>
      %add3A_79 = arith.addi %add3A_63, %all_reduce_population_count3A_78 : vector<16xi32>
      %mul3A_80 = arith.constant 8 : i32
      %mul3A_81 = arith.muli %scan3A_31, %mul3A_80 : i32
      %add3A_82 = arith.constant 3 : i32
      %add3A_83 = arith.addi %mul3A_81, %add3A_82 : i32
      %mul3A_84 = arith.constant 16 : i32
      %mul3A_85 = arith.muli %add3A_83, %mul3A_84 : i32
      %get3A_86 = arith.index_cast %mul3A_85 : i32 to index
      %get3A_87 = tpu.vector_load %arg5[%get3A_86] {strides = array<i32>} : memref<16384xf32, #tpu.memory_space<vmem>>, vector<16xf32>,
      %bitcast_convert_type3A_88 = tpu.bitcast %get3A_87 : vector<16xf32> -> vector<16xi32>
      %gt3A_89 = arith.cmpi sgt, %bitcast_convert_type3A_88, %scan3A_8#0 : vector<16xi32>
      %jit3A_90 = arith.constant 0.000000e+00 : f32
      %broadcast_in_dim3A_91 = vector.broadcast %jit3A_90 : f32 to vector<16xf32>
      %select_n3A_92 = arith.select %gt3A_89, %get3A_87, %broadcast_in_dim3A_91 : vector<16xi1>, vector<16xf32>
      %add3A_93 = arith.addf %add3A_77, %select_n3A_92 : vector<16xf32>
      %all_reduce_population_count3A_94 = tpu.all_reduce %gt3A_89 {dim = 0 : i64, kind = #tpu.reduction_kind<sum>} : vector<16xi1> -> vector<16xi32>
      %add3A_95 = arith.addi %add3A_79, %all_reduce_population_count3A_94 : vector<16xi32>
      %mul3A_96 = arith.constant 8 : i32
      %mul3A_97 = arith.muli %scan3A_31, %mul3A_96 : i32
      %add3A_98 = arith.constant 4 : i32
      %add3A_99 = arith.addi %mul3A_97, %add3A_98 : i32
      %mul3A_100 = arith.constant 16 : i32
      %mul3A_101 = arith.muli %add3A_99, %mul3A_100 : i32
      %get3A_102 = arith.index_cast %mul3A_101 : i32 to index
      %get3A_103 = tpu.vector_load %arg5[%get3A_102] {strides = array<i32>} : memref<16384xf32, #tpu.memory_space<vmem>>, vector<16xf32>,
      %bitcast_convert_type3A_104 = tpu.bitcast %get3A_103 : vector<16xf32> -> vector<16xi32>
      %gt3A_105 = arith.cmpi sgt, %bitcast_convert_type3A_104, %scan3A_8#0 : vector<16xi32>
      %jit3A_106 = arith.constant 0.000000e+00 : f32
      %broadcast_in_dim3A_107 = vector.broadcast %jit3A_106 : f32 to vector<16xf32>
      %select_n3A_108 = arith.select %gt3A_105, %get3A_103, %broadcast_in_dim3A_107 : vector<16xi1>, vector<16xf32>
      %add3A_109 = arith.addf %add3A_93, %select_n3A_108 : vector<16xf32>
      %all_reduce_population_count3A_110 = tpu.all_reduce %gt3A_105 {dim = 0 : i64, kind = #tpu.reduction_kind<sum>} : vector<16xi1> -> vector<16xi32>
      %add3A_111 = arith.addi %add3A_95, %all_reduce_population_count3A_110 : vector<16xi32>
      %mul3A_112 = arith.constant 8 : i32
      %mul3A_113 = arith.muli %scan3A_31, %mul3A_112 : i32
      %add3A_114 = arith.constant 5 : i32
      %add3A_115 = arith.addi %mul3A_113, %add3A_114 : i32
      %mul3A_116 = arith.constant 16 : i32
      %mul3A_117 = arith.muli %add3A_115, %mul3A_116 : i32
      %get3A_118 = arith.index_cast %mul3A_117 : i32 to index
      %get3A_119 = tpu.vector_load %arg5[%get3A_118] {strides = array<i32>} : memref<16384xf32, #tpu.memory_space<vmem>>, vector<16xf32>,
      %bitcast_convert_type3A_120 = tpu.bitcast %get3A_119 : vector<16xf32> -> vector<16xi32>
      %gt3A_121 = arith.cmpi sgt, %bitcast_convert_type3A_120, %scan3A_8#0 : vector<16xi32>
      %jit3A_122 = arith.constant 0.000000e+00 : f32
      %broadcast_in_dim3A_123 = vector.broadcast %jit3A_122 : f32 to vector<16xf32>
      %select_n3A_124 = arith.select %gt3A_121, %get3A_119, %broadcast_in_dim3A_123 : vector<16xi1>, vector<16xf32>
      %add3A_125 = arith.addf %add3A_109, %select_n3A_124 : vector<16xf32>
      %all_reduce_population_count3A_126 = tpu.all_reduce %gt3A_121 {dim = 0 : i64, kind = #tpu.reduction_kind<sum>} : vector<16xi1> -> vector<16xi32>
      %add3A_127 = arith.addi %add3A_111, %all_reduce_population_count3A_126 : vector<16xi32>
      %mul3A_128 = arith.constant 8 : i32
      %mul3A_129 = arith.muli %scan3A_31, %mul3A_128 : i32
      %add3A_130 = arith.constant 6 : i32
      %add3A_131 = arith.addi %mul3A_129, %add3A_130 : i32
      %mul3A_132 = arith.constant 16 : i32
      %mul3A_133 = arith.muli %add3A_131, %mul3A_132 : i32
      %get3A_134 = arith.index_cast %mul3A_133 : i32 to index
      %get3A_135 = tpu.vector_load %arg5[%get3A_134] {strides = array<i32>} : memref<16384xf32, #tpu.memory_space<vmem>>, vector<16xf32>,
      %bitcast_convert_type3A_136 = tpu.bitcast %get3A_135 : vector<16xf32> -> vector<16xi32>
      %gt3A_137 = arith.cmpi sgt, %bitcast_convert_type3A_136, %scan3A_8#0 : vector<16xi32>
      %jit3A_138 = arith.constant 0.000000e+00 : f32
      %broadcast_in_dim3A_139 = vector.broadcast %jit3A_138 : f32 to vector<16xf32>
      %select_n3A_140 = arith.select %gt3A_137, %get3A_135, %broadcast_in_dim3A_139 : vector<16xi1>, vector<16xf32>
      %add3A_141 = arith.addf %add3A_125, %select_n3A_140 : vector<16xf32>
      %all_reduce_population_count3A_142 = tpu.all_reduce %gt3A_137 {dim = 0 : i64, kind = #tpu.reduction_kind<sum>} : vector<16xi1> -> vector<16xi32>
      %add3A_143 = arith.addi %add3A_127, %all_reduce_population_count3A_142 : vector<16xi32>
      %mul3A_144 = arith.constant 8 : i32
      %mul3A_145 = arith.muli %scan3A_31, %mul3A_144 : i32
      %add3A_146 = arith.constant 7 : i32
      %add3A_147 = arith.addi %mul3A_145, %add3A_146 : i32
      %mul3A_148 = arith.constant 16 : i32
      %mul3A_149 = arith.muli %add3A_147, %mul3A_148 : i32
      %get3A_150 = arith.index_cast %mul3A_149 : i32 to index
      %get3A_151 = tpu.vector_load %arg5[%get3A_150] {strides = array<i32>} : memref<16384xf32, #tpu.memory_space<vmem>>, vector<16xf32>,
      %bitcast_convert_type3A_152 = tpu.bitcast %get3A_151 : vector<16xf32> -> vector<16xi32>
      %gt3A_153 = arith.cmpi sgt, %bitcast_convert_type3A_152, %scan3A_8#0 : vector<16xi32>
      %jit3A_154 = arith.constant 0.000000e+00 : f32
      %broadcast_in_dim3A_155 = vector.broadcast %jit3A_154 : f32 to vector<16xf32>
      %select_n3A_156 = arith.select %gt3A_153, %get3A_151, %broadcast_in_dim3A_155 : vector<16xi1>, vector<16xf32>
      %add3A_157 = arith.addf %add3A_141, %select_n3A_156 : vector<16xf32>
      %all_reduce_population_count3A_158 = tpu.all_reduce %gt3A_153 {dim = 0 : i64, kind = #tpu.reduction_kind<sum>} : vector<16xi1> -> vector<16xi32>
      %add3A_159 = arith.addi %add3A_143, %all_reduce_population_count3A_158 : vector<16xi32>
      scf.yield %add3A_157, %add3A_159 : vector<16xf32>, vector<16xi32>
    }
    %scan3A_19 = arith.constant 128 : i32
    %convert_element_type3A = arith.sitofp %scan3A_18#1 : vector<16xi32> to vector<16xf32>
    %sub3A = arith.subf %get3A_1, %convert_element_type3A : vector<16xf32>
    %mul3A_20 = arith.mulf %sub3A, %bitcast_convert_type3A : vector<16xf32>
    %iota3A = tpu.iota {dimensions = array<i32: 0>} : vector<16xi32>
    %eq3A = arith.constant 0 : i32
    %eq3A_21 = vector.broadcast %eq3A : i32 to vector<16xi32>
    %eq3A_22 = arith.cmpi eq, %iota3A, %eq3A_21 : vector<16xi32>
    %jit3A = arith.constant 0.000000e+00 : f32
    %broadcast_in_dim3A_23 = vector.broadcast %jit3A : f32 to vector<16xf32>
    %select_n3A = arith.select %eq3A_22, %mul3A_20, %broadcast_in_dim3A_23 : vector<16xi1>, vector<16xf32>
    %add3A_24 = arith.addf %scan3A_18#0, %select_n3A : vector<16xf32>
    %ge3A = arith.constant 1.000000e+00 : f32
    %ge3A_25 = vector.broadcast %ge3A : f32 to vector<16xf32>
    %ge3A_26 = arith.cmpf oge, %get3A_1, %ge3A_25 : vector<16xf32>
    %jit3A_27 = arith.constant 0.000000e+00 : f32
    %broadcast_in_dim3A_28 = vector.broadcast %jit3A_27 : f32 to vector<16xf32>
    %select_n3A_29 = arith.select %ge3A_26, %add3A_24, %broadcast_in_dim3A_28 : vector<16xi1>, vector<16xf32>
    %swap3A = arith.constant 0 : index
    %swap3A_30 = tpu.vector_load %arg7[%swap3A] {strides = array<i32>} : memref<16xf32, #tpu.memory_space<vmem>>, vector<16xf32>,
    tpu.vector_store %arg7[%swap3A], %select_n3A_29 {strides = array<i32>} : memref<16xf32, #tpu.memory_space<vmem>>, vector<16xf32>,
    "tpu.region"() ({
      %run_scoped3A = tpu.sem_alloc : memref<!tpu.dma_semaphore, #tpu.memory_space<semaphore_mem>>
      %dma_start3A = arith.constant 0 : i32
      %dma_start3A_31 = tpu.memref_slice %arg4[%add3A, %dma_start3A] : memref<32x16xf32, #tpu.memory_space<hbm>> -> memref<1x16xf32, #tpu.memory_space<hbm>>
      %dma_start3A_32 = tpu.memref_squeeze %dma_start3A_31 : memref<1x16xf32, #tpu.memory_space<hbm>> -> memref<16xf32, #tpu.memory_space<hbm>>
      %dma_start3A_33 = arith.constant 0 : i32
      %dma_start3A_34 = tpu.memref_slice %arg4[%add3A, %dma_start3A_33] : memref<32x16xf32, #tpu.memory_space<hbm>> -> memref<1x16xf32, #tpu.memory_space<hbm>>
      %dma_start3A_35 = tpu.memref_squeeze %dma_start3A_34 : memref<1x16xf32, #tpu.memory_space<hbm>> -> memref<16xf32, #tpu.memory_space<hbm>>
      tpu.enqueue_dma source(%arg7 : memref<16xf32, #tpu.memory_space<vmem>>) target(%dma_start3A_35 : memref<16xf32, #tpu.memory_space<hbm>>) target_semaphore(%run_scoped3A : memref<!tpu.dma_semaphore, #tpu.memory_space<semaphore_mem>>)
      %dma_wait3A = arith.constant 0 : i32
      %dma_wait3A_36 = tpu.memref_slice %arg4[%add3A, %dma_wait3A] : memref<32x16xf32, #tpu.memory_space<hbm>> -> memref<1x16xf32, #tpu.memory_space<hbm>>
      %dma_wait3A_37 = tpu.memref_squeeze %dma_wait3A_36 : memref<1x16xf32, #tpu.memory_space<hbm>> -> memref<16xf32, #tpu.memory_space<hbm>>
      %dma_wait3A_38 = arith.constant 0 : i32
      %dma_wait3A_39 = tpu.memref_slice %arg4[%add3A, %dma_wait3A_38] : memref<32x16xf32, #tpu.memory_space<hbm>> -> memref<1x16xf32, #tpu.memory_space<hbm>>
      %dma_wait3A_40 = tpu.memref_squeeze %dma_wait3A_39 : memref<1x16xf32, #tpu.memory_space<hbm>> -> memref<16xf32, #tpu.memory_space<hbm>>
      tpu.wait_dma2 semaphore(%run_scoped3A : memref<!tpu.dma_semaphore, #tpu.memory_space<semaphore_mem>>) src(%arg7 : memref<16xf32, #tpu.memory_space<vmem>>) dst(%dma_wait3A_40 : memref<16xf32, #tpu.memory_space<hbm>>)
      tpu.yield
    }) : () -> ()
    return
  }
}

module attributes {stable_mosaic.version = 14 : i64} {
  func.func @_row_kernel(%arg0: i32, %arg1: memref<1x5x32xf32, #tpu.memory_space<vmem>>, %arg2: memref<4x16384xf32, #tpu.memory_space<vmem>>, %arg3: memref<1x4x16384xf32, #tpu.memory_space<vmem>>, %arg4: memref<1x16384x81xf32, #tpu.memory_space<vmem>>, %arg5: memref<1x1x16384xf32, #tpu.memory_space<vmem>>, %arg6: memref<1x1x1xf32, #tpu.memory_space<vmem>>, %arg7: memref<1x1x1xf32, #tpu.memory_space<vmem>>, %arg8: memref<1x1x1xf32, #tpu.memory_space<vmem>>, %arg9: memref<1x1x16xf32, #tpu.memory_space<vmem>>) attributes {dimension_semantics = [#tpu.dimension_semantics<arbitrary>], iteration_bounds = array<i64: 32>, scalar_prefetch = 0 : i64, scratch_operands = 0 : i64, tpu.core_type = #tpu.core_type<tc>, window_params = [{transform_indices = @transform_0, window_bounds = array<i64: 1, 5, 32>}, {pipeline_mode = #tpu.pipeline_mode<synchronous>, transform_indices = @transform_1, window_bounds = array<i64: 4, 16384>}, {transform_indices = @transform_2, window_bounds = array<i64: 1, 4, 16384>}, {transform_indices = @transform_3, window_bounds = array<i64: 1, 16384, 81>}, {transform_indices = @transform_4, window_bounds = array<i64: 1, 1, 16384>}, {transform_indices = @transform_5, window_bounds = array<i64: 1, 1, 1>}, {transform_indices = @transform_6, window_bounds = array<i64: 1, 1, 1>}, {transform_indices = @transform_7, window_bounds = array<i64: 1, 1, 1>}, {transform_indices = @transform_8, window_bounds = array<i64: 1, 1, 16>}]} {
    %get3A = arith.constant 0 : index
    %get3A_0 = arith.constant 0 : index
    %get3A_1 = arith.constant 0 : index
    %get3A_2 = vector.load %arg1[%get3A, %get3A_0, %get3A_1] : memref<1x5x32xf32, #tpu.memory_space<vmem>>, vector<1x5x32xf32>
    %get3A_3 = vector.shape_cast %get3A_2 : vector<1x5x32xf32> to vector<5x32xf32>
    %slice3A = vector.extract_strided_slice %get3A_3 {offsets = [0, 0], sizes = [1, 32], strides = [1, 1]} : vector<5x32xf32> to vector<1x32xf32>
    %squeeze3A = vector.shape_cast %slice3A : vector<1x32xf32> to vector<32xf32>
    %broadcast_in_dim3A = vector.shape_cast %squeeze3A : vector<32xf32> to vector<32x1xf32>
    %slice3A_4 = vector.extract_strided_slice %get3A_3 {offsets = [1, 0], sizes = [1, 32], strides = [1, 1]} : vector<5x32xf32> to vector<1x32xf32>
    %squeeze3A_5 = vector.shape_cast %slice3A_4 : vector<1x32xf32> to vector<32xf32>
    %broadcast_in_dim3A_6 = vector.shape_cast %squeeze3A_5 : vector<32xf32> to vector<32x1xf32>
    %slice3A_7 = vector.extract_strided_slice %get3A_3 {offsets = [2, 0], sizes = [1, 32], strides = [1, 1]} : vector<5x32xf32> to vector<1x32xf32>
    %squeeze3A_8 = vector.shape_cast %slice3A_7 : vector<1x32xf32> to vector<32xf32>
    %broadcast_in_dim3A_9 = vector.shape_cast %squeeze3A_8 : vector<32xf32> to vector<32x1xf32>
    %slice3A_10 = vector.extract_strided_slice %get3A_3 {offsets = [3, 0], sizes = [1, 32], strides = [1, 1]} : vector<5x32xf32> to vector<1x32xf32>
    %squeeze3A_11 = vector.shape_cast %slice3A_10 : vector<1x32xf32> to vector<32xf32>
    %broadcast_in_dim3A_12 = vector.shape_cast %squeeze3A_11 : vector<32xf32> to vector<32x1xf32>
    %get3A_13 = arith.constant 0 : index
    %get3A_14 = arith.constant 0 : index
    %get3A_15 = vector.load %arg2[%get3A_13, %get3A_14] : memref<4x16384xf32, #tpu.memory_space<vmem>>, vector<1x16384xf32>
    %get3A_16 = vector.shape_cast %get3A_15 : vector<1x16384xf32> to vector<16384xf32>
    %broadcast_in_dim3A_17 = vector.shape_cast %get3A_16 : vector<16384xf32> to vector<1x16384xf32>
    %get3A_18 = arith.constant 1 : index
    %get3A_19 = arith.constant 0 : index
    %get3A_20 = vector.load %arg2[%get3A_18, %get3A_19] : memref<4x16384xf32, #tpu.memory_space<vmem>>, vector<1x16384xf32>
    %get3A_21 = vector.shape_cast %get3A_20 : vector<1x16384xf32> to vector<16384xf32>
    %broadcast_in_dim3A_22 = vector.shape_cast %get3A_21 : vector<16384xf32> to vector<1x16384xf32>
    %get3A_23 = arith.constant 2 : index
    %get3A_24 = arith.constant 0 : index
    %get3A_25 = vector.load %arg2[%get3A_23, %get3A_24] : memref<4x16384xf32, #tpu.memory_space<vmem>>, vector<1x16384xf32>
    %get3A_26 = vector.shape_cast %get3A_25 : vector<1x16384xf32> to vector<16384xf32>
    %broadcast_in_dim3A_27 = vector.shape_cast %get3A_26 : vector<16384xf32> to vector<1x16384xf32>
    %get3A_28 = arith.constant 3 : index
    %get3A_29 = arith.constant 0 : index
    %get3A_30 = vector.load %arg2[%get3A_28, %get3A_29] : memref<4x16384xf32, #tpu.memory_space<vmem>>, vector<1x16384xf32>
    %get3A_31 = vector.shape_cast %get3A_30 : vector<1x16384xf32> to vector<16384xf32>
    %broadcast_in_dim3A_32 = vector.shape_cast %get3A_31 : vector<16384xf32> to vector<1x16384xf32>
    %mul3A = arith.constant 5.000000e-01 : f32
    %mul3A_33 = vector.broadcast %mul3A : f32 to vector<1x16384xf32>
    %mul3A_34 = arith.mulf %broadcast_in_dim3A_27, %mul3A_33 : vector<1x16384xf32>
    %sub3A = arith.subf %broadcast_in_dim3A_17, %mul3A_34 : vector<1x16384xf32>
    %mul3A_35 = arith.constant 5.000000e-01 : f32
    %mul3A_36 = vector.broadcast %mul3A_35 : f32 to vector<1x16384xf32>
    %mul3A_37 = arith.mulf %broadcast_in_dim3A_32, %mul3A_36 : vector<1x16384xf32>
    %sub3A_38 = arith.subf %broadcast_in_dim3A_22, %mul3A_37 : vector<1x16384xf32>
    %mul3A_39 = arith.constant 5.000000e-01 : f32
    %mul3A_40 = vector.broadcast %mul3A_39 : f32 to vector<1x16384xf32>
    %mul3A_41 = arith.mulf %broadcast_in_dim3A_27, %mul3A_40 : vector<1x16384xf32>
    %add3A = arith.addf %broadcast_in_dim3A_17, %mul3A_41 : vector<1x16384xf32>
    %mul3A_42 = arith.constant 5.000000e-01 : f32
    %mul3A_43 = vector.broadcast %mul3A_42 : f32 to vector<1x16384xf32>
    %mul3A_44 = arith.mulf %broadcast_in_dim3A_32, %mul3A_43 : vector<1x16384xf32>
    %add3A_45 = arith.addf %broadcast_in_dim3A_22, %mul3A_44 : vector<1x16384xf32>
    %min3A = vector.broadcast %broadcast_in_dim3A_9 : vector<32x1xf32> to vector<32x16384xf32>
    %min3A_46 = vector.broadcast %add3A : vector<1x16384xf32> to vector<32x16384xf32>
    %min3A_47 = arith.minimumf %min3A, %min3A_46 : vector<32x16384xf32>
    %max3A = vector.broadcast %broadcast_in_dim3A : vector<32x1xf32> to vector<32x16384xf32>
    %max3A_48 = vector.broadcast %sub3A : vector<1x16384xf32> to vector<32x16384xf32>
    %max3A_49 = arith.maximumf %max3A, %max3A_48 : vector<32x16384xf32>
    %sub3A_50 = arith.subf %min3A_47, %max3A_49 : vector<32x16384xf32>
    %max3A_51 = arith.constant 0.000000e+00 : f32
    %max3A_52 = vector.broadcast %max3A_51 : f32 to vector<32x16384xf32>
    %max3A_53 = arith.maximumf %sub3A_50, %max3A_52 : vector<32x16384xf32>
    %min3A_54 = vector.broadcast %broadcast_in_dim3A_12 : vector<32x1xf32> to vector<32x16384xf32>
    %min3A_55 = vector.broadcast %add3A_45 : vector<1x16384xf32> to vector<32x16384xf32>
    %min3A_56 = arith.minimumf %min3A_54, %min3A_55 : vector<32x16384xf32>
    %max3A_57 = vector.broadcast %broadcast_in_dim3A_6 : vector<32x1xf32> to vector<32x16384xf32>
    %max3A_58 = vector.broadcast %sub3A_38 : vector<1x16384xf32> to vector<32x16384xf32>
    %max3A_59 = arith.maximumf %max3A_57, %max3A_58 : vector<32x16384xf32>
    %sub3A_60 = arith.subf %min3A_56, %max3A_59 : vector<32x16384xf32>
    %max3A_61 = arith.constant 0.000000e+00 : f32
    %max3A_62 = vector.broadcast %max3A_61 : f32 to vector<32x16384xf32>
    %max3A_63 = arith.maximumf %sub3A_60, %max3A_62 : vector<32x16384xf32>
    %mul3A_64 = arith.mulf %max3A_53, %max3A_63 : vector<32x16384xf32>
    %sub3A_65 = arith.subf %broadcast_in_dim3A_9, %broadcast_in_dim3A : vector<32x1xf32>
    %sub3A_66 = arith.subf %broadcast_in_dim3A_12, %broadcast_in_dim3A_6 : vector<32x1xf32>
    %mul3A_67 = arith.mulf %sub3A_65, %sub3A_66 : vector<32x1xf32>
    %sub3A_68 = arith.subf %add3A, %sub3A : vector<1x16384xf32>
    %sub3A_69 = arith.subf %add3A_45, %sub3A_38 : vector<1x16384xf32>
    %mul3A_70 = arith.mulf %sub3A_68, %sub3A_69 : vector<1x16384xf32>
    %add3A_71 = vector.broadcast %mul3A_67 : vector<32x1xf32> to vector<32x16384xf32>
    %add3A_72 = vector.broadcast %mul3A_70 : vector<1x16384xf32> to vector<32x16384xf32>
    %add3A_73 = arith.addf %add3A_71, %add3A_72 : vector<32x16384xf32>
    %sub3A_74 = arith.subf %add3A_73, %mul3A_64 : vector<32x16384xf32>
    %div3A = arith.divf %mul3A_64, %sub3A_74 : vector<32x16384xf32>
    %iota3A = tpu.iota {dimensions = array<i32: 1>} : vector<32x16384xi32>
    %iota3A_75 = tpu.iota {dimensions = array<i32: 0>} : vector<32x16384xi32>
    %reduce_max3A = arith.constant dense<0xFF800000> : vector<32xf32>
    %reduce_max3A_76 = vector.multi_reduction <maximumf>, %div3A, %reduce_max3A [1] : vector<32x16384xf32> to vector<32xf32>
    %broadcast_in_dim3A_77 = vector.shape_cast %reduce_max3A_76 : vector<32xf32> to vector<32x1xf32>
    %eq3A = vector.broadcast %broadcast_in_dim3A_77 : vector<32x1xf32> to vector<32x16384xf32>
    %eq3A_78 = arith.cmpf oeq, %div3A, %eq3A : vector<32x16384xf32>
    %jit3A = arith.constant 16384 : i32
    %broadcast_in_dim3A_79 = vector.broadcast %jit3A : i32 to vector<32x16384xi32>
    %select_n3A = arith.select %eq3A_78, %iota3A, %broadcast_in_dim3A_79 : vector<32x16384xi1>, vector<32x16384xi32>
    %reduce_min3A = arith.constant dense<2147483647> : vector<32xi32>
    %reduce_min3A_80 = vector.multi_reduction <minsi>, %select_n3A, %reduce_min3A [1] : vector<32x16384xi32> to vector<32xi32>
    %reduce_max3A_81 = arith.constant dense<0xFF800000> : vector<16384xf32>
    %reduce_max3A_82 = vector.multi_reduction <maximumf>, %div3A, %reduce_max3A_81 [0] : vector<32x16384xf32> to vector<16384xf32>
    %broadcast_in_dim3A_83 = vector.shape_cast %reduce_max3A_82 : vector<16384xf32> to vector<1x16384xf32>
    %eq3A_84 = vector.broadcast %broadcast_in_dim3A_83 : vector<1x16384xf32> to vector<32x16384xf32>
    %eq3A_85 = arith.cmpf oeq, %div3A, %eq3A_84 : vector<32x16384xf32>
    %jit3A_86 = arith.constant 32 : i32
    %broadcast_in_dim3A_87 = vector.broadcast %jit3A_86 : i32 to vector<32x16384xi32>
    %select_n3A_88 = arith.select %eq3A_85, %iota3A_75, %broadcast_in_dim3A_87 : vector<32x16384xi1>, vector<32x16384xi32>
    %reduce_min3A_89 = arith.constant dense<2147483647> : vector<16384xi32>
    %reduce_min3A_90 = vector.multi_reduction <minsi>, %select_n3A_88, %reduce_min3A_89 [0] : vector<32x16384xi32> to vector<16384xi32>
    %broadcast_in_dim3A_91 = vector.shape_cast %reduce_min3A_80 : vector<32xi32> to vector<32x1xi32>
    %eq3A_92 = vector.broadcast %broadcast_in_dim3A_91 : vector<32x1xi32> to vector<32x16384xi32>
    %eq3A_93 = arith.cmpi eq, %eq3A_92, %iota3A : vector<32x16384xi32>
    %jit3A_94 = arith.constant -1 : i32
    %broadcast_in_dim3A_95 = vector.broadcast %jit3A_94 : i32 to vector<32x16384xi32>
    %select_n3A_96 = arith.select %eq3A_93, %iota3A_75, %broadcast_in_dim3A_95 : vector<32x16384xi1>, vector<32x16384xi32>
    %reduce_max3A_97 = arith.constant dense<-2147483648> : vector<16384xi32>
    %reduce_max3A_98 = vector.multi_reduction <maxsi>, %select_n3A_96, %reduce_max3A_97 [0] : vector<32x16384xi32> to vector<16384xi32>
    %ge3A = arith.constant 0 : i32
    %ge3A_99 = vector.broadcast %ge3A : i32 to vector<16384xi32>
    %ge3A_100 = arith.cmpi sge, %reduce_max3A_98, %ge3A_99 : vector<16384xi32>
    %select_n3A_101 = arith.select %ge3A_100, %reduce_max3A_98, %reduce_min3A_90 : vector<16384xi1>, vector<16384xi32>
    %ge3A_102 = arith.constant 0 : i32
    %ge3A_103 = vector.broadcast %ge3A_102 : i32 to vector<16384xi32>
    %ge3A_104 = arith.cmpi sge, %reduce_max3A_98, %ge3A_103 : vector<16384xi32>
    %jit3A_105 = arith.constant 2.000000e+00 : f32
    %broadcast_in_dim3A_106 = vector.broadcast %jit3A_105 : f32 to vector<16384xf32>
    %select_n3A_107 = arith.select %ge3A_104, %broadcast_in_dim3A_106, %reduce_max3A_82 : vector<16384xi1>, vector<16384xf32>
    %broadcast_in_dim3A_108 = vector.shape_cast %select_n3A_101 : vector<16384xi32> to vector<1x16384xi32>
    %eq3A_109 = vector.broadcast %broadcast_in_dim3A_108 : vector<1x16384xi32> to vector<32x16384xi32>
    %eq3A_110 = arith.cmpi eq, %eq3A_109, %iota3A_75 : vector<32x16384xi32>
    %convert_element_type3A = arith.extui %eq3A_110 : vector<32x16384xi1> to vector<32x16384xi32>
    %convert_element_type3A_111 = arith.sitofp %convert_element_type3A : vector<32x16384xi32> to vector<32x16384xf32>
    %slice3A_112 = vector.extract_strided_slice %get3A_3 {offsets = [0, 0], sizes = [1, 32], strides = [1, 1]} : vector<5x32xf32> to vector<1x32xf32>
    %dot_general3A = arith.constant dense<0.000000e+00> : vector<1x16384xf32>
    %dot_general3A_113 = tpu.matmul %slice3A_112, %convert_element_type3A_111, %dot_general3A {dimension_numbers = #tpu.dot_dimension_numbers<[1], [0], [0], [1], [0, 0, 1, 1], [], []>, transpose_lhs_hint = false} : vector<1x32xf32>, vector<32x16384xf32>, vector<1x16384xf32> -> vector<1x16384xf32>
    %squeeze3A_114 = vector.shape_cast %dot_general3A_113 : vector<1x16384xf32> to vector<16384xf32>
    %slice3A_115 = vector.extract_strided_slice %get3A_3 {offsets = [1, 0], sizes = [1, 32], strides = [1, 1]} : vector<5x32xf32> to vector<1x32xf32>
    %dot_general3A_116 = arith.constant dense<0.000000e+00> : vector<1x16384xf32>
    %dot_general3A_117 = tpu.matmul %slice3A_115, %convert_element_type3A_111, %dot_general3A_116 {dimension_numbers = #tpu.dot_dimension_numbers<[1], [0], [0], [1], [0, 0, 1, 1], [], []>, transpose_lhs_hint = false} : vector<1x32xf32>, vector<32x16384xf32>, vector<1x16384xf32> -> vector<1x16384xf32>
    %squeeze3A_118 = vector.shape_cast %dot_general3A_117 : vector<1x16384xf32> to vector<16384xf32>
    %slice3A_119 = vector.extract_strided_slice %get3A_3 {offsets = [2, 0], sizes = [1, 32], strides = [1, 1]} : vector<5x32xf32> to vector<1x32xf32>
    %dot_general3A_120 = arith.constant dense<0.000000e+00> : vector<1x16384xf32>
    %dot_general3A_121 = tpu.matmul %slice3A_119, %convert_element_type3A_111, %dot_general3A_120 {dimension_numbers = #tpu.dot_dimension_numbers<[1], [0], [0], [1], [0, 0, 1, 1], [], []>, transpose_lhs_hint = false} : vector<1x32xf32>, vector<32x16384xf32>, vector<1x16384xf32> -> vector<1x16384xf32>
    %squeeze3A_122 = vector.shape_cast %dot_general3A_121 : vector<1x16384xf32> to vector<16384xf32>
    %slice3A_123 = vector.extract_strided_slice %get3A_3 {offsets = [3, 0], sizes = [1, 32], strides = [1, 1]} : vector<5x32xf32> to vector<1x32xf32>
    %dot_general3A_124 = arith.constant dense<0.000000e+00> : vector<1x16384xf32>
    %dot_general3A_125 = tpu.matmul %slice3A_123, %convert_element_type3A_111, %dot_general3A_124 {dimension_numbers = #tpu.dot_dimension_numbers<[1], [0], [0], [1], [0, 0, 1, 1], [], []>, transpose_lhs_hint = false} : vector<1x32xf32>, vector<32x16384xf32>, vector<1x16384xf32> -> vector<1x16384xf32>
    %squeeze3A_126 = vector.shape_cast %dot_general3A_125 : vector<1x16384xf32> to vector<16384xf32>
    %slice3A_127 = vector.extract_strided_slice %get3A_3 {offsets = [4, 0], sizes = [1, 32], strides = [1, 1]} : vector<5x32xf32> to vector<1x32xf32>
    %dot_general3A_128 = arith.constant dense<0.000000e+00> : vector<1x16384xf32>
    %dot_general3A_129 = tpu.matmul %slice3A_127, %convert_element_type3A_111, %dot_general3A_128 {dimension_numbers = #tpu.dot_dimension_numbers<[1], [0], [0], [1], [0, 0, 1, 1], [], []>, transpose_lhs_hint = false} : vector<1x32xf32>, vector<32x16384xf32>, vector<1x16384xf32> -> vector<1x16384xf32>
    %squeeze3A_130 = vector.shape_cast %dot_general3A_129 : vector<1x16384xf32> to vector<16384xf32>
    %lt3A = arith.constant 5.000000e-01 : f32
    %lt3A_131 = vector.broadcast %lt3A : f32 to vector<16384xf32>
    %lt3A_132 = arith.cmpf olt, %select_n3A_107, %lt3A_131 : vector<16384xf32>
    %convert_element_type3A_133 = arith.fptosi %squeeze3A_130 : vector<16384xf32> to vector<16384xi32>
    %add3A_134 = arith.constant 1 : i32
    %add3A_135 = vector.broadcast %add3A_134 : i32 to vector<16384xi32>
    %add3A_136 = arith.addi %convert_element_type3A_133, %add3A_135 : vector<16384xi32>
    %jit3A_137 = arith.constant 0 : i32
    %broadcast_in_dim3A_138 = vector.broadcast %jit3A_137 : i32 to vector<16384xi32>
    %select_n3A_139 = arith.select %lt3A_132, %broadcast_in_dim3A_138, %add3A_136 : vector<16384xi1>, vector<16384xi32>
    %gt3A = arith.constant 0 : i32
    %gt3A_140 = vector.broadcast %gt3A : i32 to vector<16384xi32>
    %gt3A_141 = arith.cmpi sgt, %select_n3A_139, %gt3A_140 : vector<16384xi32>
    %convert_element_type3A_142 = arith.extui %gt3A_141 : vector<16384xi1> to vector<16384xi32>
    %convert_element_type3A_143 = arith.sitofp %convert_element_type3A_142 : vector<16384xi32> to vector<16384xf32>
    %squeeze3A_144 = vector.shape_cast %broadcast_in_dim3A_27 : vector<1x16384xf32> to vector<16384xf32>
    %squeeze3A_145 = vector.shape_cast %broadcast_in_dim3A_32 : vector<1x16384xf32> to vector<16384xf32>
    %div3A_146 = arith.constant 1.000000e+00 : f32
    %div3A_147 = vector.broadcast %div3A_146 : f32 to vector<16384xf32>
    %div3A_148 = arith.divf %div3A_147, %squeeze3A_144 : vector<16384xf32>
    %div3A_149 = arith.constant 1.000000e+00 : f32
    %div3A_150 = vector.broadcast %div3A_149 : f32 to vector<16384xf32>
    %div3A_151 = arith.divf %div3A_150, %squeeze3A_145 : vector<16384xf32>
    %add3A_152 = arith.addf %squeeze3A_114, %squeeze3A_122 : vector<16384xf32>
    %mul3A_153 = arith.constant 5.000000e-01 : f32
    %mul3A_154 = vector.broadcast %mul3A_153 : f32 to vector<16384xf32>
    %mul3A_155 = arith.mulf %add3A_152, %mul3A_154 : vector<16384xf32>
    %squeeze3A_156 = vector.shape_cast %broadcast_in_dim3A_17 : vector<1x16384xf32> to vector<16384xf32>
    %sub3A_157 = arith.subf %mul3A_155, %squeeze3A_156 : vector<16384xf32>
    %mul3A_158 = arith.constant 1.000000e+01 : f32
    %mul3A_159 = vector.broadcast %mul3A_158 : f32 to vector<16384xf32>
    %mul3A_160 = arith.mulf %div3A_148, %mul3A_159 : vector<16384xf32>
    %mul3A_161 = arith.mulf %sub3A_157, %mul3A_160 : vector<16384xf32>
    %add3A_162 = arith.addf %squeeze3A_118, %squeeze3A_126 : vector<16384xf32>
    %mul3A_163 = arith.constant 5.000000e-01 : f32
    %mul3A_164 = vector.broadcast %mul3A_163 : f32 to vector<16384xf32>
    %mul3A_165 = arith.mulf %add3A_162, %mul3A_164 : vector<16384xf32>
    %squeeze3A_166 = vector.shape_cast %broadcast_in_dim3A_22 : vector<1x16384xf32> to vector<16384xf32>
    %sub3A_167 = arith.subf %mul3A_165, %squeeze3A_166 : vector<16384xf32>
    %mul3A_168 = arith.constant 1.000000e+01 : f32
    %mul3A_169 = vector.broadcast %mul3A_168 : f32 to vector<16384xf32>
    %mul3A_170 = arith.mulf %div3A_151, %mul3A_169 : vector<16384xf32>
    %mul3A_171 = arith.mulf %sub3A_167, %mul3A_170 : vector<16384xf32>
    %sub3A_172 = arith.subf %squeeze3A_122, %squeeze3A_114 : vector<16384xf32>
    %mul3A_173 = arith.mulf %sub3A_172, %div3A_148 : vector<16384xf32>
    %log3A = math.log %mul3A_173 : vector<16384xf32>
    %mul3A_174 = arith.constant 5.000000e+00 : f32
    %mul3A_175 = vector.broadcast %mul3A_174 : f32 to vector<16384xf32>
    %mul3A_176 = arith.mulf %log3A, %mul3A_175 : vector<16384xf32>
    %sub3A_177 = arith.subf %squeeze3A_126, %squeeze3A_118 : vector<16384xf32>
    %mul3A_178 = arith.mulf %sub3A_177, %div3A_151 : vector<16384xf32>
    %log3A_179 = math.log %mul3A_178 : vector<16384xf32>
    %mul3A_180 = arith.constant 5.000000e+00 : f32
    %mul3A_181 = vector.broadcast %mul3A_180 : f32 to vector<16384xf32>
    %mul3A_182 = arith.mulf %log3A_179, %mul3A_181 : vector<16384xf32>
    %get3A_183 = arith.constant 0 : index
    %get3A_184 = arith.constant 0 : index
    %get3A_185 = arith.constant 0 : index
    %get3A_186 = vector.load %arg3[%get3A_183, %get3A_184, %get3A_185] : memref<1x4x16384xf32, #tpu.memory_space<vmem>>, vector<1x4x16384xf32>
    %get3A_187 = vector.shape_cast %get3A_186 : vector<1x4x16384xf32> to vector<4x16384xf32>
    %slice3A_188 = vector.extract_strided_slice %get3A_187 {offsets = [0, 0], sizes = [1, 16384], strides = [1, 1]} : vector<4x16384xf32> to vector<1x16384xf32>
    %squeeze3A_189 = vector.shape_cast %slice3A_188 : vector<1x16384xf32> to vector<16384xf32>
    %sub3A_190 = arith.subf %squeeze3A_189, %mul3A_161 : vector<16384xf32>
    %abs3A = math.absf %sub3A_190 : vector<16384xf32>
    %lt3A_191 = arith.constant 1.000000e+00 : f32
    %lt3A_192 = vector.broadcast %lt3A_191 : f32 to vector<16384xf32>
    %lt3A_193 = arith.cmpf olt, %abs3A, %lt3A_192 : vector<16384xf32>
    %mul3A_194 = arith.constant 5.000000e-01 : f32
    %mul3A_195 = vector.broadcast %mul3A_194 : f32 to vector<16384xf32>
    %mul3A_196 = arith.mulf %mul3A_195, %sub3A_190 : vector<16384xf32>
    %mul3A_197 = arith.mulf %mul3A_196, %sub3A_190 : vector<16384xf32>
    %sub3A_198 = arith.constant 5.000000e-01 : f32
    %sub3A_199 = vector.broadcast %sub3A_198 : f32 to vector<16384xf32>
    %sub3A_200 = arith.subf %abs3A, %sub3A_199 : vector<16384xf32>
    %select_n3A_201 = arith.select %lt3A_193, %mul3A_197, %sub3A_200 : vector<16384xi1>, vector<16384xf32>
    %slice3A_202 = vector.extract_strided_slice %get3A_187 {offsets = [1, 0], sizes = [1, 16384], strides = [1, 1]} : vector<4x16384xf32> to vector<1x16384xf32>
    %squeeze3A_203 = vector.shape_cast %slice3A_202 : vector<1x16384xf32> to vector<16384xf32>
    %sub3A_204 = arith.subf %squeeze3A_203, %mul3A_171 : vector<16384xf32>
    %abs3A_205 = math.absf %sub3A_204 : vector<16384xf32>
    %lt3A_206 = arith.constant 1.000000e+00 : f32
    %lt3A_207 = vector.broadcast %lt3A_206 : f32 to vector<16384xf32>
    %lt3A_208 = arith.cmpf olt, %abs3A_205, %lt3A_207 : vector<16384xf32>
    %mul3A_209 = arith.constant 5.000000e-01 : f32
    %mul3A_210 = vector.broadcast %mul3A_209 : f32 to vector<16384xf32>
    %mul3A_211 = arith.mulf %mul3A_210, %sub3A_204 : vector<16384xf32>
    %mul3A_212 = arith.mulf %mul3A_211, %sub3A_204 : vector<16384xf32>
    %sub3A_213 = arith.constant 5.000000e-01 : f32
    %sub3A_214 = vector.broadcast %sub3A_213 : f32 to vector<16384xf32>
    %sub3A_215 = arith.subf %abs3A_205, %sub3A_214 : vector<16384xf32>
    %select_n3A_216 = arith.select %lt3A_208, %mul3A_212, %sub3A_215 : vector<16384xi1>, vector<16384xf32>
    %add3A_217 = arith.addf %select_n3A_201, %select_n3A_216 : vector<16384xf32>
    %slice3A_218 = vector.extract_strided_slice %get3A_187 {offsets = [2, 0], sizes = [1, 16384], strides = [1, 1]} : vector<4x16384xf32> to vector<1x16384xf32>
    %squeeze3A_219 = vector.shape_cast %slice3A_218 : vector<1x16384xf32> to vector<16384xf32>
    %sub3A_220 = arith.subf %squeeze3A_219, %mul3A_176 : vector<16384xf32>
    %abs3A_221 = math.absf %sub3A_220 : vector<16384xf32>
    %lt3A_222 = arith.constant 1.000000e+00 : f32
    %lt3A_223 = vector.broadcast %lt3A_222 : f32 to vector<16384xf32>
    %lt3A_224 = arith.cmpf olt, %abs3A_221, %lt3A_223 : vector<16384xf32>
    %mul3A_225 = arith.constant 5.000000e-01 : f32
    %mul3A_226 = vector.broadcast %mul3A_225 : f32 to vector<16384xf32>
    %mul3A_227 = arith.mulf %mul3A_226, %sub3A_220 : vector<16384xf32>
    %mul3A_228 = arith.mulf %mul3A_227, %sub3A_220 : vector<16384xf32>
    %sub3A_229 = arith.constant 5.000000e-01 : f32
    %sub3A_230 = vector.broadcast %sub3A_229 : f32 to vector<16384xf32>
    %sub3A_231 = arith.subf %abs3A_221, %sub3A_230 : vector<16384xf32>
    %select_n3A_232 = arith.select %lt3A_224, %mul3A_228, %sub3A_231 : vector<16384xi1>, vector<16384xf32>
    %add3A_233 = arith.addf %add3A_217, %select_n3A_232 : vector<16384xf32>
    %slice3A_234 = vector.extract_strided_slice %get3A_187 {offsets = [3, 0], sizes = [1, 16384], strides = [1, 1]} : vector<4x16384xf32> to vector<1x16384xf32>
    %squeeze3A_235 = vector.shape_cast %slice3A_234 : vector<1x16384xf32> to vector<16384xf32>
    %sub3A_236 = arith.subf %squeeze3A_235, %mul3A_182 : vector<16384xf32>
    %abs3A_237 = math.absf %sub3A_236 : vector<16384xf32>
    %lt3A_238 = arith.constant 1.000000e+00 : f32
    %lt3A_239 = vector.broadcast %lt3A_238 : f32 to vector<16384xf32>
    %lt3A_240 = arith.cmpf olt, %abs3A_237, %lt3A_239 : vector<16384xf32>
    %mul3A_241 = arith.constant 5.000000e-01 : f32
    %mul3A_242 = vector.broadcast %mul3A_241 : f32 to vector<16384xf32>
    %mul3A_243 = arith.mulf %mul3A_242, %sub3A_236 : vector<16384xf32>
    %mul3A_244 = arith.mulf %mul3A_243, %sub3A_236 : vector<16384xf32>
    %sub3A_245 = arith.constant 5.000000e-01 : f32
    %sub3A_246 = vector.broadcast %sub3A_245 : f32 to vector<16384xf32>
    %sub3A_247 = arith.subf %abs3A_237, %sub3A_246 : vector<16384xf32>
    %select_n3A_248 = arith.select %lt3A_240, %mul3A_244, %sub3A_247 : vector<16384xi1>, vector<16384xf32>
    %add3A_249 = arith.addf %add3A_233, %select_n3A_248 : vector<16384xf32>
    %mul3A_250 = arith.mulf %add3A_249, %convert_element_type3A_143 : vector<16384xf32>
    %broadcast_in_dim3A_251 = vector.shape_cast %mul3A_250 : vector<16384xf32> to vector<1x16384xf32>
    %reduce_sum3A = arith.constant dense<0.000000e+00> : vector<1xf32>
    %reduce_sum3A_252 = vector.multi_reduction <add>, %broadcast_in_dim3A_251, %reduce_sum3A [1] : vector<1x16384xf32> to vector<1xf32>
    %broadcast_in_dim3A_253 = vector.shape_cast %reduce_sum3A_252 : vector<1xf32> to vector<1x1xf32>
    %swap3A = arith.constant 0 : index
    %swap3A_254 = arith.constant 0 : index
    %swap3A_255 = arith.constant 0 : index
    %swap3A_256 = vector.load %arg7[%swap3A, %swap3A_254, %swap3A_255] : memref<1x1x1xf32, #tpu.memory_space<vmem>>, vector<1x1x1xf32>
    %swap3A_257 = vector.shape_cast %swap3A_256 : vector<1x1x1xf32> to vector<1x1xf32>
    %swap3A_258 = vector.shape_cast %broadcast_in_dim3A_253 : vector<1x1xf32> to vector<1x1x1xf32>
    tpu.vector_store %arg7[%swap3A, %swap3A_254, %swap3A_255], %swap3A_258 {strides = array<i32>} : memref<1x1x1xf32, #tpu.memory_space<vmem>>, vector<1x1x1xf32>,
    %broadcast_in_dim3A_259 = vector.shape_cast %convert_element_type3A_143 : vector<16384xf32> to vector<1x16384xf32>
    %reduce_sum3A_260 = arith.constant dense<0.000000e+00> : vector<1xf32>
    %reduce_sum3A_261 = vector.multi_reduction <add>, %broadcast_in_dim3A_259, %reduce_sum3A_260 [1] : vector<1x16384xf32> to vector<1xf32>
    %broadcast_in_dim3A_262 = vector.shape_cast %reduce_sum3A_261 : vector<1xf32> to vector<1x1xf32>
    %swap3A_263 = arith.constant 0 : index
    %swap3A_264 = arith.constant 0 : index
    %swap3A_265 = arith.constant 0 : index
    %swap3A_266 = vector.load %arg6[%swap3A_263, %swap3A_264, %swap3A_265] : memref<1x1x1xf32, #tpu.memory_space<vmem>>, vector<1x1x1xf32>
    %swap3A_267 = vector.shape_cast %swap3A_266 : vector<1x1x1xf32> to vector<1x1xf32>
    %swap3A_268 = vector.shape_cast %broadcast_in_dim3A_262 : vector<1x1xf32> to vector<1x1x1xf32>
    tpu.vector_store %arg6[%swap3A_263, %swap3A_264, %swap3A_265], %swap3A_268 {strides = array<i32>} : memref<1x1x1xf32, #tpu.memory_space<vmem>>, vector<1x1x1xf32>,
    %mul3A_269 = arith.constant 3.000000e+00 : f32
    %mul3A_270 = vector.broadcast %mul3A_269 : f32 to vector<1x1xf32>
    %mul3A_271 = arith.mulf %mul3A_270, %broadcast_in_dim3A_262 : vector<1x1xf32>
    %min3A_272 = arith.constant 1.638300e+04 : f32
    %min3A_273 = vector.broadcast %min3A_272 : f32 to vector<1x1xf32>
    %min3A_274 = arith.minimumf %mul3A_271, %min3A_273 : vector<1x1xf32>
    %broadcast_in_dim3A_275 = vector.shape_cast %min3A_274 : vector<1x1xf32> to vector<1x1xf32>
    %broadcast_in_dim3A_276 = vector.broadcast %broadcast_in_dim3A_275 : vector<1x1xf32> to vector<1x16xf32>
    %swap3A_277 = arith.constant 0 : index
    %swap3A_278 = arith.constant 0 : index
    %swap3A_279 = arith.constant 0 : index
    %swap3A_280 = vector.load %arg9[%swap3A_277, %swap3A_278, %swap3A_279] : memref<1x1x16xf32, #tpu.memory_space<vmem>>, vector<1x1x16xf32>
    %swap3A_281 = vector.shape_cast %swap3A_280 : vector<1x1x16xf32> to vector<1x16xf32>
    %swap3A_282 = vector.shape_cast %broadcast_in_dim3A_276 : vector<1x16xf32> to vector<1x1x16xf32>
    tpu.vector_store %arg9[%swap3A_277, %swap3A_278, %swap3A_279], %swap3A_282 {strides = array<i32>} : memref<1x1x16xf32, #tpu.memory_space<vmem>>, vector<1x1x16xf32>,
    %get3A_283 = arith.constant 0 : index
    %get3A_284 = arith.constant 0 : index
    %get3A_285 = arith.constant 0 : index
    %get3A_286 = vector.load %arg4[%get3A_283, %get3A_284, %get3A_285] : memref<1x16384x81xf32, #tpu.memory_space<vmem>>, vector<1x16384x81xf32>
    %get3A_287 = vector.shape_cast %get3A_286 : vector<1x16384x81xf32> to vector<16384x81xf32>
    %exp3A = math.exp %get3A_287 : vector<16384x81xf32>
    %iota3A_288 = tpu.iota {dimensions = array<i32: 1>} : vector<16384x81xi32>
    %broadcast_in_dim3A_289 = vector.shape_cast %select_n3A_139 : vector<16384xi32> to vector<16384x1xi32>
    %eq3A_290 = vector.broadcast %broadcast_in_dim3A_289 : vector<16384x1xi32> to vector<16384x81xi32>
    %eq3A_291 = arith.cmpi eq, %iota3A_288, %eq3A_290 : vector<16384x81xi32>
    %jit3A_292 = arith.constant 0.000000e+00 : f32
    %broadcast_in_dim3A_293 = vector.broadcast %jit3A_292 : f32 to vector<16384x81xf32>
    %select_n3A_294 = arith.select %eq3A_291, %get3A_287, %broadcast_in_dim3A_293 : vector<16384x81xi1>, vector<16384x81xf32>
    %broadcast_in_dim3A_295 = arith.constant 1.000000e+00 : f32
    %broadcast_in_dim3A_296 = vector.broadcast %broadcast_in_dim3A_295 : f32 to vector<81x1xf32>
    %dot_general3A_297 = arith.constant dense<0.000000e+00> : vector<16384x1xf32>
    %dot_general3A_298 = tpu.matmul %exp3A, %broadcast_in_dim3A_296, %dot_general3A_297 {dimension_numbers = #tpu.dot_dimension_numbers<[1], [0], [0], [1], [0, 0, 1, 1], [], []>, transpose_lhs_hint = false} : vector<16384x81xf32>, vector<81x1xf32>, vector<16384x1xf32> -> vector<16384x1xf32>
    %dot_general3A_299 = arith.constant dense<0.000000e+00> : vector<16384x1xf32>
    %dot_general3A_300 = tpu.matmul %select_n3A_294, %broadcast_in_dim3A_296, %dot_general3A_299 {dimension_numbers = #tpu.dot_dimension_numbers<[1], [0], [0], [1], [0, 0, 1, 1], [], []>, transpose_lhs_hint = false} : vector<16384x81xf32>, vector<81x1xf32>, vector<16384x1xf32> -> vector<16384x1xf32>
    %squeeze3A_301 = vector.shape_cast %dot_general3A_300 : vector<16384x1xf32> to vector<16384xf32>
    %log3A_302 = math.log %dot_general3A_298 : vector<16384x1xf32>
    %squeeze3A_303 = vector.shape_cast %log3A_302 : vector<16384x1xf32> to vector<16384xf32>
    %sub3A_304 = arith.subf %squeeze3A_303, %squeeze3A_301 : vector<16384xf32>
    %jit3A_305 = arith.constant 0.000000e+00 : f32
    %broadcast_in_dim3A_306 = vector.broadcast %jit3A_305 : f32 to vector<16384xf32>
    %select_n3A_307 = arith.select %gt3A_141, %sub3A_304, %broadcast_in_dim3A_306 : vector<16384xi1>, vector<16384xf32>
    %broadcast_in_dim3A_308 = vector.shape_cast %select_n3A_307 : vector<16384xf32> to vector<1x16384xf32>
    %reduce_sum3A_309 = arith.constant dense<0.000000e+00> : vector<1xf32>
    %reduce_sum3A_310 = vector.multi_reduction <add>, %broadcast_in_dim3A_308, %reduce_sum3A_309 [1] : vector<1x16384xf32> to vector<1xf32>
    %broadcast_in_dim3A_311 = vector.shape_cast %reduce_sum3A_310 : vector<1xf32> to vector<1x1xf32>
    %swap3A_312 = arith.constant 0 : index
    %swap3A_313 = arith.constant 0 : index
    %swap3A_314 = arith.constant 0 : index
    %swap3A_315 = vector.load %arg8[%swap3A_312, %swap3A_313, %swap3A_314] : memref<1x1x1xf32, #tpu.memory_space<vmem>>, vector<1x1x1xf32>
    %swap3A_316 = vector.shape_cast %swap3A_315 : vector<1x1x1xf32> to vector<1x1xf32>
    %swap3A_317 = vector.shape_cast %broadcast_in_dim3A_311 : vector<1x1xf32> to vector<1x1x1xf32>
    tpu.vector_store %arg8[%swap3A_312, %swap3A_313, %swap3A_314], %swap3A_317 {strides = array<i32>} : memref<1x1x1xf32, #tpu.memory_space<vmem>>, vector<1x1x1xf32>,
    %jit3A_318 = arith.constant 0.000000e+00 : f32
    %broadcast_in_dim3A_319 = vector.broadcast %jit3A_318 : f32 to vector<16384xf32>
    %select_n3A_320 = arith.select %gt3A_141, %broadcast_in_dim3A_319, %sub3A_304 : vector<16384xi1>, vector<16384xf32>
    %swap3A_321 = arith.constant 0 : index
    %swap3A_322 = arith.constant 0 : index
    %swap3A_323 = arith.constant 0 : index
    %swap3A_324 = vector.load %arg5[%swap3A_321, %swap3A_322, %swap3A_323] : memref<1x1x16384xf32, #tpu.memory_space<vmem>>, vector<1x1x16384xf32>
    %swap3A_325 = vector.shape_cast %swap3A_324 : vector<1x1x16384xf32> to vector<16384xf32>
    %swap3A_326 = vector.shape_cast %select_n3A_320 : vector<16384xf32> to vector<1x1x16384xf32>
    tpu.vector_store %arg5[%swap3A_321, %swap3A_322, %swap3A_323], %swap3A_326 {strides = array<i32>} : memref<1x1x16384xf32, #tpu.memory_space<vmem>>, vector<1x1x16384xf32>,
    return
  }
  func.func @transform_0(%arg0: i32) -> (i32, i32, i32) {
    %c0_i32 = arith.constant 0 : i32
    %c0_i32_0 = arith.constant 0 : i32
    %c0_i32_1 = arith.constant 0 : i32
    return %arg0, %c0_i32, %c0_i32_0 : i32, i32, i32
  }
  func.func @transform_1(%arg0: i32) -> (i32, i32) {
    %c0_i32 = arith.constant 0 : i32
    %c0_i32_0 = arith.constant 0 : i32
    %c0_i32_1 = arith.constant 0 : i32
    return %c0_i32, %c0_i32_0 : i32, i32
  }
  func.func @transform_2(%arg0: i32) -> (i32, i32, i32) {
    %c0_i32 = arith.constant 0 : i32
    %c0_i32_0 = arith.constant 0 : i32
    %c0_i32_1 = arith.constant 0 : i32
    return %arg0, %c0_i32, %c0_i32_0 : i32, i32, i32
  }
  func.func @transform_3(%arg0: i32) -> (i32, i32, i32) {
    %c0_i32 = arith.constant 0 : i32
    %c0_i32_0 = arith.constant 0 : i32
    %c0_i32_1 = arith.constant 0 : i32
    return %arg0, %c0_i32, %c0_i32_0 : i32, i32, i32
  }
  func.func @transform_4(%arg0: i32) -> (i32, i32, i32) {
    %c0_i32 = arith.constant 0 : i32
    %c0_i32_0 = arith.constant 0 : i32
    %c0_i32_1 = arith.constant 0 : i32
    return %arg0, %c0_i32, %c0_i32_0 : i32, i32, i32
  }
  func.func @transform_5(%arg0: i32) -> (i32, i32, i32) {
    %c0_i32 = arith.constant 0 : i32
    %c0_i32_0 = arith.constant 0 : i32
    %c0_i32_1 = arith.constant 0 : i32
    return %arg0, %c0_i32, %c0_i32_0 : i32, i32, i32
  }
  func.func @transform_6(%arg0: i32) -> (i32, i32, i32) {
    %c0_i32 = arith.constant 0 : i32
    %c0_i32_0 = arith.constant 0 : i32
    %c0_i32_1 = arith.constant 0 : i32
    return %arg0, %c0_i32, %c0_i32_0 : i32, i32, i32
  }
  func.func @transform_7(%arg0: i32) -> (i32, i32, i32) {
    %c0_i32 = arith.constant 0 : i32
    %c0_i32_0 = arith.constant 0 : i32
    %c0_i32_1 = arith.constant 0 : i32
    return %arg0, %c0_i32, %c0_i32_0 : i32, i32, i32
  }
  func.func @transform_8(%arg0: i32) -> (i32, i32, i32) {
    %c0_i32 = arith.constant 0 : i32
    %c0_i32_0 = arith.constant 0 : i32
    %c0_i32_1 = arith.constant 0 : i32
    return %arg0, %c0_i32, %c0_i32_0 : i32, i32, i32
  }
}

module attributes {stable_mosaic.version = 14 : i64} {
  func.func @_final_kernel(%arg0: memref<32x16xf32, #tpu.memory_space<vmem>>, %arg1: memref<32x1xf32, #tpu.memory_space<vmem>>, %arg2: memref<32x1xf32, #tpu.memory_space<vmem>>, %arg3: memref<32x1xf32, #tpu.memory_space<vmem>>, %arg4: memref<1x1xf32, #tpu.memory_space<vmem>>, %arg5: memref<1x1xf32, #tpu.memory_space<vmem>>) attributes {dimension_semantics = [], scalar_prefetch = 0 : i64, scratch_operands = 0 : i64, tpu.core_type = #tpu.core_type<tc>} {
    %get3A = arith.constant 0 : index
    %get3A_0 = arith.constant 0 : index
    %get3A_1 = vector.load %arg0[%get3A, %get3A_0] : memref<32x16xf32, #tpu.memory_space<vmem>>, vector<32x16xf32>
    %reduce_sum3A = arith.constant dense<0.000000e+00> : vector<32xf32>
    %reduce_sum3A_2 = vector.multi_reduction <add>, %get3A_1, %reduce_sum3A [1] : vector<32x16xf32> to vector<32xf32>
    %broadcast_in_dim3A = vector.shape_cast %reduce_sum3A_2 : vector<32xf32> to vector<32x1xf32>
    %get3A_3 = arith.constant 0 : index
    %get3A_4 = arith.constant 0 : index
    %get3A_5 = vector.load %arg1[%get3A_3, %get3A_4] : memref<32x1xf32, #tpu.memory_space<vmem>>, vector<32x1xf32>
    %reduce_sum3A_6 = arith.constant dense<0.000000e+00> : vector<1xf32>
    %reduce_sum3A_7 = vector.multi_reduction <add>, %get3A_5, %reduce_sum3A_6 [0] : vector<32x1xf32> to vector<1xf32>
    %broadcast_in_dim3A_8 = vector.shape_cast %reduce_sum3A_7 : vector<1xf32> to vector<1x1xf32>
    %get3A_9 = arith.constant 0 : index
    %get3A_10 = arith.constant 0 : index
    %get3A_11 = vector.load %arg2[%get3A_9, %get3A_10] : memref<32x1xf32, #tpu.memory_space<vmem>>, vector<32x1xf32>
    %reduce_sum3A_12 = arith.constant dense<0.000000e+00> : vector<1xf32>
    %reduce_sum3A_13 = vector.multi_reduction <add>, %get3A_11, %reduce_sum3A_12 [0] : vector<32x1xf32> to vector<1xf32>
    %broadcast_in_dim3A_14 = vector.shape_cast %reduce_sum3A_13 : vector<1xf32> to vector<1x1xf32>
    %div3A = arith.divf %broadcast_in_dim3A_14, %broadcast_in_dim3A_8 : vector<1x1xf32>
    %swap3A = arith.constant 0 : index
    %swap3A_15 = arith.constant 0 : index
    %swap3A_16 = vector.load %arg4[%swap3A, %swap3A_15] : memref<1x1xf32, #tpu.memory_space<vmem>>, vector<1x1xf32>
    tpu.vector_store %arg4[%swap3A, %swap3A_15], %div3A {strides = array<i32>} : memref<1x1xf32, #tpu.memory_space<vmem>>, vector<1x1xf32>,
    %reduce_sum3A_17 = arith.constant dense<0.000000e+00> : vector<1xf32>
    %reduce_sum3A_18 = vector.multi_reduction <add>, %broadcast_in_dim3A, %reduce_sum3A_17 [0] : vector<32x1xf32> to vector<1xf32>
    %broadcast_in_dim3A_19 = vector.shape_cast %reduce_sum3A_18 : vector<1xf32> to vector<1x1xf32>
    %get3A_20 = arith.constant 0 : index
    %get3A_21 = arith.constant 0 : index
    %get3A_22 = vector.load %arg3[%get3A_20, %get3A_21] : memref<32x1xf32, #tpu.memory_space<vmem>>, vector<32x1xf32>
    %reduce_sum3A_23 = arith.constant dense<0.000000e+00> : vector<1xf32>
    %reduce_sum3A_24 = vector.multi_reduction <add>, %get3A_22, %reduce_sum3A_23 [0] : vector<32x1xf32> to vector<1xf32>
    %broadcast_in_dim3A_25 = vector.shape_cast %reduce_sum3A_24 : vector<1xf32> to vector<1x1xf32>
    %add3A = arith.addf %broadcast_in_dim3A_19, %broadcast_in_dim3A_25 : vector<1x1xf32>
    %div3A_26 = arith.divf %add3A, %broadcast_in_dim3A_8 : vector<1x1xf32>
    %swap3A_27 = arith.constant 0 : index
    %swap3A_28 = arith.constant 0 : index
    %swap3A_29 = vector.load %arg5[%swap3A_27, %swap3A_28] : memref<1x1xf32, #tpu.memory_space<vmem>>, vector<1x1xf32>
    tpu.vector_store %arg5[%swap3A_27, %swap3A_28], %div3A_26 {strides = array<i32>} : memref<1x1xf32, #tpu.memory_space<vmem>>, vector<1x1xf32>,
    return
  }
}

</mosaic_0001>

<sc_bundles>
// kernel: kernel.5.cloned.1.call-start
scs
__scs_entry_jumppad:
0x0: {  	(pc) =	sbr.rel $0x88, $3  }
0x1: {  	(tag) =	ssettag $0x0;
	lr =	simm.s32 $0x1  }
0x2: {  	[smem:$0x3F9D] =	sst lr;
	_ =	strace $0xD0000000  }
0x3: {  	_ = 	snop  }
0x4: {  	_ = 	snop  }
0x5: {  	_ = 	snop  }
0x6: {  	_ = 	snop  }
0x7: {  	_ = 	snop  }
__scs_overlays_trampoline_lowered:
0x8: {  	[smem:$0x3FAC] =	sst s0  }
0x9: {  	[smem:$0x3FAD] =	sst s1  }
0xa: {  	[smem:$0x3FAE] =	sst s2  }
0xb: {  	[smem:$0x3FAF] =	sst s3  }
0xc: {  	[smem:$0x3FB0] =	sst s4  }
0xd: {  	[smem:$0x3FB1] =	sst s5  }
0xe: {  	[smem:$0x3FB2] =	sst s6  }
0xf: {  	[smem:$0x3FB3] =	sst s7  }
0x10: {  	[smem:$0x3FB4] =	sst s8  }
0x11: {  	[smem:$0x3FB5] =	sst s9;
	s0 =	simm.s32 @!p0 $0x0  }
0x12: {  	s1 =	sld [smem:$0x3F9B];
	s0 =	simm.s32 @p0 $0x1  }
0x13: {  	[smem:$0x3FB6] =	sst s0;
	s0 =	simm.s32 @!p1 $0x0  }
0x14: {  	s2 =	sld [smem:$0x3F9A];
	s0 =	simm.s32 @p1 $0x1  }
0x15: {  	[smem:$0x3FB7] =	sst s0;
	s0 =	simm.s32 @!p2 $0x0  }
0x16: {  	s3 =	sld [smem:$0x3FDB];
	s0 =	simm.s32 @p2 $0x1  }
0x17: {  	s4 =	simm.s32 $0x1BF5;
	[smem:$0x3FB9] =	sst s0  }
0x18: {  	s0 =	sld [smem:$0x3F9C];
	_ =	swait.ge [sflag:s4], $0x0  }
0x19: {  	s7 =	sld [smem:$0x3F9D]  }
0x1a: {  	s8 =	sadd.s32 $0xFFFFE003, lr  }
0x1b: {  	s9 =	sadd.s32 $0xFFFFFEF7, lr;
	s5 =	simm.s32 $0xFFFFFFFF;
	p2 =	slt.u32 s8, $0xFFFFF086  }
0x1c: {  	p1 =	slt.u32 s9, $0xF7A;
	s5 =	simm.s32 @!p2 $0x0  }
0x1d: {  	s5 =	simm.s32 @p1 $0x1;
	p0 =	seq.s32 s7, s2  }
0x1e: {  	s7 =	smul.u32 @!p0 $0xF7A, s2;
	p2 =	seq.s32 @!p0 s5, $0x0  }
0x1f: {  	s9 =	smul.u32 $0xF7A, s1;
	s8 =	simm.s32 @!p0 $0x1BF5;
	p2 =	por !p2, p0  }
0x20: {  	[sflag:s8] =	ssyncset.s32 @!p0 $0xFFFFF086;
	s6 =	sadd.s32 @!p0 s3, s7;
	s7 =	simm.s32 @!p0 $0x108  }
0x21: {  	s3 =	sadd.s32 s3, s9;
	s6 =	sadd.s32 @!p0 $0x88, s6;
	s7 =	simm.s32 @p2 $0x1082  }
0x22: {  	[simem:s7], [sflag:s8] =	dma.local @!p0 [hbm:s6], $0xF7A  }
0x23: {  	s9 =	sor.u32 $0xD0000000, s2;
	s6 =	simm.s32 $0x108;
	_ =	swait.ge @!p0 [sflag:s8], $0x0  }
0x24: {  	s3 =	sadd.s32 $0x88, s3;
	s6 =	simm.s32 @!p1 $0x1082;
	[sflag:s4] =	ssyncset.s32 $0xFFFFF086  }
0x25: {  	[simem:s6], [sflag:s4] =	dma.local [hbm:s3], $0xF7A  }
0x26: {  	[smem:$0x3F9D] =	sst s1;
	(tag) =	ssettag s2;
	_ =	strace s9  }
0x27: {  	s1 =	sld [smem:$0x3FAD]  }
0x28: {  	s2 =	sld [smem:$0x3FAE]  }
0x29: {  	s4 =	sld [smem:$0x3FB0]  }
0x2a: {  	p0 =	seq.s32 s5, $0x0;
	s5 =	sld [smem:$0x3FB1]  }
0x2b: {  	s6 =	sld [smem:$0x3FB2]  }
0x2c: {  	s7 =	sld [smem:$0x3FB3]  }
0x2d: {  	s3 =	simm.s32 $0x108;
	s8 =	sld [smem:$0x3FB4]  }
0x2e: {  	s3 =	simm.s32 @!p0 $0x1082;
	s9 =	sld [smem:$0x3FB5]  }
0x2f: {  	lr =	sadd.s32 s0, s3;
	s0 =	sld [smem:$0x3FAC]  }
0x30: {  	s3 =	sld [smem:$0x3FAF]  }
0x31: {  	[smem:$0x3FB8] =	sst s10  }
0x32: {  	s10 =	sld [smem:$0x3FB6];
	_ =	sdelay $0x3  }
0x33: {  	p0 =	seq.s32 s10, $0x1;
	s10 =	sld [smem:$0x3FB8];
	_ =	sdelay $0x3  }
0x34: {  	[smem:$0x3FB8] =	sst s10  }
0x35: {  	s10 =	sld [smem:$0x3FB7];
	_ =	sdelay $0x3  }
0x36: {  	p1 =	seq.s32 s10, $0x1;
	s10 =	sld [smem:$0x3FB8];
	_ =	sdelay $0x3  }
0x37: {  	[smem:$0x3FB8] =	sst s10  }
0x38: {  	s10 =	sld [smem:$0x3FB9]  }
0x39: {  	_ = 	snop;
	(pc) =	sbr.ind lr, $3  }
0x3a: {  	_ = 	snop  }
0x3b: {  	_ = 	snop  }
0x3c: {  	p2 =	seq.s32 s10, $0x1;
	s10 =	sld [smem:$0x3FB8]  }
0x3d: {  	_ =	shalt  }
0x3e: {  	_ =	shalt  }
0x3f: {  	_ =	shalt  }
0x40: {  	_ =	shalt  }
0x41: {  	_ =	shalt  }
0x42: {  	_ =	shalt  }
0x43: {  	_ =	shalt  }
0x44: {  	_ =	shalt  }
0x45: {  	_ =	shalt  }
0x46: {  	_ =	shalt  }
0x47: {  	_ =	shalt  }
0x48: {  	_ =	shalt  }
0x49: {  	_ =	shalt  }
0x4a: {  	_ =	shalt  }
0x4b: {  	_ =	shalt  }
0x4c: {  	_ =	shalt  }
0x4d: {  	_ =	shalt  }
0x4e: {  	_ =	shalt  }
0x4f: {  	_ =	shalt  }
0x50: {  	_ =	shalt  }
0x51: {  	_ =	shalt  }
0x52: {  	_ =	shalt  }
0x53: {  	_ =	shalt  }
0x54: {  	_ =	shalt  }
0x55: {  	_ =	shalt  }
0x56: {  	_ =	shalt  }
0x57: {  	_ =	shalt  }
0x58: {  	_ =	shalt  }
0x59: {  	_ =	shalt  }
0x5a: {  	_ =	shalt  }
0x5b: {  	_ =	shalt  }
0x5c: {  	_ =	shalt  }
0x5d: {  	_ =	shalt  }
0x5e: {  	_ =	shalt  }
0x5f: {  	_ =	shalt  }
0x60: {  	_ =	shalt  }
0x61: {  	_ =	shalt  }
0x62: {  	_ =	shalt  }
0x63: {  	_ =	shalt  }
0x64: {  	_ =	shalt  }
0x65: {  	_ =	shalt  }
0x66: {  	_ =	shalt  }
0x67: {  	_ =	shalt  }
0x68: {  	_ =	shalt  }
0x69: {  	_ =	shalt  }
0x6a: {  	_ =	shalt  }
0x6b: {  	_ =	shalt  }
0x6c: {  	_ =	shalt  }
0x6d: {  	_ =	shalt  }
0x6e: {  	_ =	shalt  }
0x6f: {  	_ =	shalt  }
0x70: {  	_ =	shalt  }
0x71: {  	_ =	shalt  }
0x72: {  	_ =	shalt  }
0x73: {  	_ =	shalt  }
0x74: {  	_ =	shalt  }
0x75: {  	_ =	shalt  }
0x76: {  	_ =	shalt  }
0x77: {  	_ =	shalt  }
0x78: {  	_ =	shalt  }
0x79: {  	_ =	shalt  }
0x7a: {  	_ =	shalt  }
0x7b: {  	_ =	shalt  }
0x7c: {  	_ =	shalt  }
0x7d: {  	_ =	shalt  }
0x7e: {  	_ =	shalt  }
0x7f: {  	_ =	shalt  }
0x80: {  	_ =	shalt  }
0x81: {  	_ =	shalt  }
0x82: {  	_ =	shalt  }
0x83: {  	_ =	shalt  }
0x84: {  	_ =	shalt  }
0x85: {  	_ =	shalt  }
0x86: {  	_ =	shalt  }
0x87: {  	_ =	shalt  }
.Lfunc_end0:
.L_simem_size_0:
called_computation_lowered:
.L_overlay_start_0:
0x88: {  	s2 =	sld [smem:$0x3FD9]  }
0x89: {  	s3 =	sld [smem:$0x3FFE];
	_ =	sdelay $0x1  }
0x8a: {  	s1 =	srdreg.scid  }
0x8b: {  	s0 =	sand.u32 $0x1, s1  }
0x8c: {  	s16 =	sshll.u32 s0, $0xA;
	s2 =	sadd.s32 s3, s2  }
0x8d: {  	s2 =	sadd.s32 s2, s16  }
0x8e: {  	[smem:$0x3FC4] =	sst s2  }
0x8f: {  	_ = 	snop  }
0x90: {  	(tm) =	ssettm $0x1  }
0x91: {  	s17 =	sld [smem:$0x3FFB];
	_ =	sdelay $0x3  }
0x92: {  	_ =	strace s17  }
0x93: {  	s2 =	sld [smem:$0x3FFC];
	_ =	sdelay $0x3  }
0x94: {  	_ =	strace s2  }
0x95: {  	s2 =	sld [smem:$0x3FFD];
	_ =	sdelay $0x3  }
0x96: {  	_ =	strace s2  }
0x97: {  	_ =	strace $0x8FFFFFFF  }
0x98: {  	s18 =	sld [smem:$0x3FDB];
	_ =	sdelay $0x1  }
0x99: {  	s19 =	simm.s32 $_scs_section_size  }
0x9a: {  	s4 =	simm.s32 $_size__tile_overlayer_lowered;
	s5 =	simm.s32 $_tile_overlayer_lowered  }
0x9b: {  	s22 =	simm.s32 $0x1BFF;
	s21 =	sshll.u32 s5, $0x1;
	s2 =	sadd.s32 s19, s18  }
0x9c: {  	s6 =	simm.s32 $0x0;
	s20 =	sshll.u32 s4, $0x1;
	s4 =	sadd.s32 s21, s2  }
0x9d: {  	[timem:s6], [sflag:s22] =	dma.local [hbm:s4], s20  }
0x9e: {  	_ =	swait.ge [sflag:s22], s20  }
0x9f: {  	s3 =	ssub.s32 $0x0, s20;
	[sflag:s22] =	ssyncset.done $0x0  }
0xa0: {  	[sflag:s22] =	ssyncadd.s32 s3;
	_ =	sdelay $0x1  }
0xa1: {  	s23 =	simm.s32 $0x1B8B  }
0xa2: {  	_ =	swait.ge [sflag:s23], $0x1  }
0xa3: {  	[sflag:s23] =	ssyncset.done $0x0  }
0xa4: {  	s25 =	simm.s32 $0x1B8E;
	s24 =	sld [smem:$0x3FFE];
	[sflag:s23] =	ssyncadd.s32 $0xFFFFFFFF  }
0xa5: {  	s26 =	simm.s32 $execute0_lowered;
	[smem:$0x3FD2] =	sst s25  }
0xa6: {  	s4 =	sshll.u32 s26, $0x1;
	_ =	strace $0x80000046;
	[dreg:$0x1] =	wrdreg $0xFFFFFFFF  }
0xa7: {  	s28 =	simm.s32 $_size_execute0_lowered;
	s2 =	sadd.s32 s2, s4;
	[dreg:$0x0] =	wrdreg $0x0  }
0xa8: {  	s4 =	sshll.u32 s28, $0x1;
	[dreg:$0x2] =	wrdreg s2  }
0xa9: {  	[dreg:$0x3] =	wrdreg s4  }
0xaa: {  	[dreg:$0x4] =	wrdreg $0xC0  }
0xab: {  	_ =	task [dreg:s6], $0x5FFFF  }
0xac: {  	[dreg:$0x1] =	wrdreg $0xFFFFFFFF  }
0xad: {  	[dreg:$0x0] =	wrdreg $0x60  }
0xae: {  	[dreg:$0x2] =	wrdreg s24  }
0xaf: {  	[dreg:$0x3] =	wrdreg $0x9  }
0xb0: {  	_ =	task.clear_ibuf [dreg:s6], $0x4FFFF;
	_ =	strace $0x90000046  }
0xb1: {  	s29 =	simm.s32 $0x9;
	_ =	strace $0x80000048  }
0xb2: {  	_ =	swait.ge [sflag:s29], $0x1  }
0xb3: {  	[sflag:s29] =	ssyncadd.s32 $0xFFFFFFFF  }
0xb4: {  	_ =	strace $0x90000048  }
0xb5: {  	_ =	sfence  }
0xb6: {  	s30 =	sld [smem:$0x0];
	_ =	sdelay $0x2  }
0xb7: {  	s31 =	sshll.u32 s1, $0xD;
	s1 =	sshrl.u32 s1, $0x2  }
0xb8: {  	s3 =	sand.u32 $0x4000, s31;
	s1 =	sadd.s32 s1, s30  }
0xb9: {  	s0 =	sor.u32 s3, s0;
	s1 =	sshll.u32 s1, $0x11  }
0xba: {  	s0 =	sor.u32 s1, s0  }
0xbb: {  	s0 =	sadd.s32 $0x8F2B, s0  }
0xbc: {  	[sflag:s0] =	ssyncadd.remote.s32 $0x1  }
0xbd: {  	_ =	sfence.sel $0xFFFF  }
0xbe: {  	[dreg:$0x0] =	wrdreg $0xFFFFFFFF;
	(pc) =	sbr.abs _section_cstart, $3  }
0xbf: {  	[dreg:$0x1] =	wrdreg $0xFFFFFFFF  }
0xc0: {  	_ =	task.clear_ibuf [dreg:s6], $0x2FFFF;
	_ =	strace $0x9FFFFFFF  }
0xc1: {  	(tm) =	ssettm $0x7FFFFFFF  }
tec
execute0_lowered:
.L_overlay_start_1:
0x0: {  	(tag) =	ssettag $0x1  }
0x1: {  	s3 =	rddreg [dreg:$0x0]  }
0x2: {  	s0 =	rddreg [dreg:$0x1]  }
0x3: {  	s4 =	srdreg.scid;
	s1 =	stileid.u32;
	s2 =	simm.s32 $0x0  }
0x4: {  	s9 =	simm.s32 $0x1;
	s10 =	simm.s32 $0x4000;
	s11 =	simm.s32 $0x4080  }
0x5: {  	s12 =	simm.s32 $0x0;
	s16 =	simm.s32 $0x0;
	s4 =	sand.u32 $0x1, s4  }
0x6: {  	s5 =	sshll.u32 s1, $0x8;
	s6 =	sshrl.u32 s1, $0x2;
	[smem:$0x7FF] =	sst s2  }
0x7: {  	s7 =	sshll.u32 s4, $0x7;
	s5 =	sand.u32 $0x300, s5;
	s8 =	sshll.u32 s6, $0x11  }
0x8: {  	_ =	strace $0x80000047;
	s6 =	sshll.u32 s6, $0xA;
	s5 =	sor.u32 s7, s5  }
0x9: {  	s4 =	ssub.s32 $0x2, s4;
	s7 =	sor.u32 s8, s5;
	s5 =	sor.u32 s6, s5  }
0xa: {  	s31 =	sshrl.u32 s4, $0x1;
	s7 =	sshrl.u32 s7, $0x3;
	s5 =	sshrl.u32 s5, $0x3  }
0xb: {  	s8 =	simm.s32 $0x400;
	s30 =	sadd.s32 s7, s3;
	s5 =	sadd.s32 s5, s3  }
0xc: {  	s7 =	ssub.s32 s4, s31;
	s3 =	sadd.s32 $0x1200, s30;
	s4 =	sadd.s32 $0x1000, s5  }
0xd: {  	vm0 =	vmmov $0x1;
	s5 =	sadd.s32 $0x11200, s5;
	s6 =	smax.u32 s7, $0x1;
	s7 =	simm.s32 $0x80  }
.LBB2_1:
0xe: {  	[tilespmem:s2], [sflag:$0x1] =	stream.strided.gather [hbm4b:s3+s7], $0x4000, s8, s7, $0x38;
	[tilespmem:$0x4100] =	vst v63  }
0xf: {  	_ =	swait.ge [sflag:s9], $0x4000  }
0x10: {  	[sflag:s9] =	ssyncset.done $0x0  }
0x11: {  	[sflag:s9] =	ssyncadd.s32 $0xFFFFC000  }
0x12: {  	[tilespmem:s10], [sflag:$0x1] =	stream.linear.gather [hbm4b:s4+s2], $0x80, $0x38;
	[tilespmem:$0x4100] =	vst v63  }
0x13: {  	_ =	swait.ge [sflag:s9], $0x80  }
0x14: {  	[sflag:s9] =	ssyncset.done $0x0  }
0x15: {  	[sflag:s9] =	ssyncadd.s32 $0xFFFFFF80  }
0x16: {  	v2 =	vimm.s32 $0x0;
	v3 =	vimm.s32 $0x7F800001;
	v1 =	vimm.s32 $0x0;
	s13 =	simm.s32 $0x0;
	v0 =	vld [tilespmem:$0x4000]  }
.LBB2_2:
0x17: {  	v5 =	vld [tilespmem:s16+$0x0]  }
0x18: {  	v6 =	vld [tilespmem:s16+$0x10]  }
0x19: {  	v4 =	vsub.s32 v3, v1;
	v7 =	vld [tilespmem:s16+$0x20]  }
0x1a: {  	v8 =	vld [tilespmem:s16+$0x30];
	v4 =	vshrl.u32 v4, $0x1  }
0x1b: {  	v9 =	vld [tilespmem:s16+$0x40];
	v4 =	vadd.s32 v1, v4  }
0x1c: {  	vm1 =	vge.s32 v5, v4;
	v5 =	vld [tilespmem:s16+$0x50]  }
0x1d: {  	v10 =	vmpcnt.ones.xlane vm1;
	vm1 =	vge.s32 v6, v4;
	v6 =	vld [tilespmem:s16+$0x60]  }
0x1e: {  	v11 =	vmpcnt.ones.xlane vm1;
	vm1 =	vge.s32 v7, v4;
	v7 =	vld [tilespmem:s16+$0x70]  }
0x1f: {  	v10 =	vadd.s32 v2, v10;
	v12 =	vmpcnt.ones.xlane vm1;
	vm1 =	vge.s32 v8, v4;
	v8 =	vld [tilespmem:s16+$0x80]  }
0x20: {  	v10 =	vadd.s32 v11, v10;
	v11 =	vmpcnt.ones.xlane vm1;
	vm1 =	vge.s32 v9, v4;
	v9 =	vld [tilespmem:s16+$0x90]  }
0x21: {  	v13 =	vld [tilespmem:s16+$0xA0];
	v10 =	vadd.s32 v12, v10;
	v12 =	vmpcnt.ones.xlane vm1;
	vm1 =	vge.s32 v5, v4  }
0x22: {  	v5 =	vld [tilespmem:s16+$0xB0];
	v10 =	vadd.s32 v11, v10;
	v11 =	vmpcnt.ones.xlane vm1;
	vm1 =	vge.s32 v6, v4  }
0x23: {  	v6 =	vld [tilespmem:s16+$0xC0];
	v10 =	vadd.s32 v12, v10;
	v12 =	vmpcnt.ones.xlane vm1;
	vm1 =	vge.s32 v7, v4  }
0x24: {  	v7 =	vld [tilespmem:s16+$0xD0];
	v10 =	vadd.s32 v11, v10;
	v11 =	vmpcnt.ones.xlane vm1;
	vm1 =	vge.s32 v8, v4  }
0x25: {  	v8 =	vld [tilespmem:s16+$0xE0];
	v12 =	vadd.s32 v12, v10;
	v10 =	vmpcnt.ones.xlane vm1;
	vm1 =	vge.s32 v9, v4  }
0x26: {  	s14 =	simm.s32 $0x100;
	s15 =	simm.s32 $0x800;
	v9 =	vld [tilespmem:s16+$0xF0];
	v12 =	vadd.s32 v11, v12;
	v11 =	vmpcnt.ones.xlane vm1;
	vm1 =	vge.s32 v13, v4  }
.LBB2_3:
0x27: {  	p0 =	sne.s32 s15, $0xFC00;
	v13 =	vld [tilespmem:s14+$0x0];
	v10 =	vadd.s32 v10, v12;
	v12 =	vmpcnt.ones.xlane vm1;
	vm1 =	vge.s32 v5, v4  }
0x28: {  	v5 =	vld [tilespmem:s14+$0x10];
	v10 =	vadd.s32 v11, v10;
	v11 =	vmpcnt.ones.xlane vm1;
	vm1 =	vge.s32 v6, v4  }
0x29: {  	v6 =	vld [tilespmem:s14+$0x20];
	v10 =	vadd.s32 v12, v10;
	v12 =	vmpcnt.ones.xlane vm1;
	vm1 =	vge.s32 v7, v4  }
0x2a: {  	v7 =	vld [tilespmem:s14+$0x30];
	v10 =	vadd.s32 v11, v10;
	v11 =	vmpcnt.ones.xlane vm1;
	vm1 =	vge.s32 v8, v4  }
0x2b: {  	v8 =	vld [tilespmem:s14+$0x40];
	v10 =	vadd.s32 v12, v10;
	v12 =	vmpcnt.ones.xlane vm1;
	vm1 =	vge.s32 v9, v4  }
0x2c: {  	vm2 =	vge.s32 v13, v4;
	v9 =	vld [tilespmem:s14+$0x50];
	v10 =	vadd.s32 v11, v10;
	v11 =	vmpcnt.ones.xlane vm1  }
0x2d: {  	v13 =	vmpcnt.ones.xlane vm2;
	vm1 =	vge.s32 v5, v4;
	v5 =	vld [tilespmem:s14+$0x60];
	v10 =	vadd.s32 v12, v10  }
0x2e: {  	v12 =	vmpcnt.ones.xlane vm1;
	vm1 =	vge.s32 v6, v4;
	v6 =	vld [tilespmem:s14+$0x70];
	v10 =	vadd.s32 v11, v10  }
0x2f: {  	v10 =	vadd.s32 v10, v13;
	v11 =	vmpcnt.ones.xlane vm1;
	vm1 =	vge.s32 v7, v4;
	v7 =	vld [tilespmem:s14+$0x80]  }
0x30: {  	v10 =	vadd.s32 v12, v10;
	v12 =	vmpcnt.ones.xlane vm1;
	vm1 =	vge.s32 v8, v4;
	v8 =	vld [tilespmem:s14+$0x90]  }
0x31: {  	v10 =	vadd.s32 v11, v10;
	v11 =	vmpcnt.ones.xlane vm1;
	vm1 =	vge.s32 v9, v4;
	v9 =	vld [tilespmem:s14+$0xA0]  }
.Ltmp0:
0x32: {  	v10 =	vadd.s32 v12, v10;
	v12 =	vmpcnt.ones.xlane vm1;
	vm1 =	vge.s32 v5, v4;
	v5 =	vld [tilespmem:s14+$0xB0];
	(pc) =	sbr.rel @p0 .LBB2_3-.Ltmp0, $4  }
0x33: {  	v10 =	vadd.s32 v11, v10;
	v11 =	vmpcnt.ones.xlane vm1;
	vm1 =	vge.s32 v6, v4;
	v6 =	vld [tilespmem:s14+$0xC0]  }
0x34: {  	v10 =	vadd.s32 v12, v10;
	v12 =	vmpcnt.ones.xlane vm1;
	vm1 =	vge.s32 v7, v4;
	v7 =	vld [tilespmem:s14+$0xD0]  }
0x35: {  	v11 =	vadd.s32 v11, v10;
	v10 =	vmpcnt.ones.xlane vm1;
	vm1 =	vge.s32 v8, v4;
	v8 =	vld [tilespmem:s14+$0xE0]  }
0x36: {  	v12 =	vadd.s32 v12, v11;
	v11 =	vmpcnt.ones.xlane vm1;
	vm1 =	vge.s32 v9, v4;
	v9 =	vld [tilespmem:s14+$0xF0];
	s14 =	sshra.s32 s15, $0x2;
	s15 =	sadd.s32 $0x400, s15  }
0x37: {  	v13 =	vld [tilespmem:s14+$0x0];
	v10 =	vadd.s32 v10, v12;
	v33 =	vmpcnt.ones.xlane vm1;
	vm1 =	vge.s32 v5, v4  }
0x38: {  	v5 =	vld [tilespmem:s14+$0x10];
	v10 =	vadd.s32 v11, v10;
	v34 =	vmpcnt.ones.xlane vm1;
	vm1 =	vge.s32 v6, v4  }
0x39: {  	v35 =	vld [tilespmem:s14+$0x20];
	v10 =	vadd.s32 v33, v10;
	v36 =	vmpcnt.ones.xlane vm1;
	vm1 =	vge.s32 v7, v4  }
0x3a: {  	v37 =	vld [tilespmem:s14+$0x30];
	v10 =	vadd.s32 v34, v10;
	v38 =	vmpcnt.ones.xlane vm1;
	vm1 =	vge.s32 v8, v4  }
0x3b: {  	v39 =	vld [tilespmem:s14+$0x40];
	v10 =	vadd.s32 v36, v10;
	v40 =	vmpcnt.ones.xlane vm1;
	vm1 =	vge.s32 v9, v4  }
0x3c: {  	v41 =	vld [tilespmem:s14+$0x50];
	vm2 =	vge.s32 v13, v4;
	v10 =	vadd.s32 v38, v10;
	v42 =	vmpcnt.ones.xlane vm1  }
0x3d: {  	vm1 =	vge.s32 v5, v4;
	v5 =	vld [tilespmem:s14+$0x60];
	v13 =	vmpcnt.ones.xlane vm2;
	v10 =	vadd.s32 v40, v10  }
0x3e: {  	v44 =	vld [tilespmem:s14+$0x70];
	v43 =	vmpcnt.ones.xlane vm1;
	vm1 =	vge.s32 v35, v4;
	v10 =	vadd.s32 v42, v10  }
0x3f: {  	v46 =	vld [tilespmem:s14+$0x80];
	v45 =	vmpcnt.ones.xlane vm1;
	vm1 =	vge.s32 v37, v4;
	v10 =	vadd.s32 v10, v13  }
0x40: {  	v48 =	vld [tilespmem:s14+$0x90];
	v47 =	vmpcnt.ones.xlane vm1;
	vm1 =	vge.s32 v39, v4;
	v10 =	vadd.s32 v43, v10  }
0x41: {  	v50 =	vld [tilespmem:s14+$0xA0];
	v49 =	vmpcnt.ones.xlane vm1;
	vm1 =	vge.s32 v41, v4;
	v10 =	vadd.s32 v45, v10  }
0x42: {  	v51 =	vmpcnt.ones.xlane vm1;
	vm1 =	vge.s32 v5, v4;
	v5 =	vld [tilespmem:s14+$0xB0];
	v10 =	vadd.s32 v47, v10  }
0x43: {  	v53 =	vld [tilespmem:s14+$0xC0];
	v52 =	vmpcnt.ones.xlane vm1;
	vm1 =	vge.s32 v44, v4;
	v10 =	vadd.s32 v49, v10  }
0x44: {  	v55 =	vld [tilespmem:s14+$0xD0];
	v54 =	vmpcnt.ones.xlane vm1;
	vm1 =	vge.s32 v46, v4;
	v10 =	vadd.s32 v51, v10  }
0x45: {  	v57 =	vld [tilespmem:s14+$0xE0];
	v56 =	vmpcnt.ones.xlane vm1;
	vm1 =	vge.s32 v48, v4;
	v10 =	vadd.s32 v52, v10  }
0x46: {  	v59 =	vld [tilespmem:s14+$0xF0];
	v58 =	vmpcnt.ones.xlane vm1;
	vm1 =	vge.s32 v50, v4;
	v10 =	vadd.s32 v54, v10  }
0x47: {  	v60 =	vmpcnt.ones.xlane vm1;
	vm1 =	vge.s32 v5, v4;
	v10 =	vadd.s32 v56, v10  }
0x48: {  	v61 =	vmpcnt.ones.xlane vm1;
	vm1 =	vge.s32 v53, v4;
	v5 =	vadd.s32 v58, v10  }
0x49: {  	v6 =	vmpcnt.ones.xlane vm1;
	vm1 =	vge.s32 v55, v4;
	v5 =	vadd.s32 v60, v5  }
0x4a: {  	v7 =	vmpcnt.ones.xlane vm1;
	vm1 =	vge.s32 v57, v4;
	v5 =	vadd.s32 v61, v5  }
0x4b: {  	v62 =	vmpcnt.ones.xlane vm1;
	vm1 =	vge.s32 v59, v4;
	v5 =	vadd.s32 v6, v5  }
0x4c: {  	s13 =	sadd.s32 $0x1, s13;
	v63 =	vmpcnt.ones.xlane vm1;
	v5 =	vadd.s32 v7, v5  }
0x4d: {  	p0 =	sne.s32 s13, $0x1F;
	v5 =	vadd.s32 v62, v5  }
.Ltmp1:
0x4e: {  	v5 =	vadd.s32 v63, v5;
	(pc) =	sbr.rel @p0 .LBB2_2-.Ltmp1, $3  }
0x4f: {  	v5 =	vcvt.s32.f32 v5;
	_ =	sdelay $0x1  }
0x50: {  	vm1 =	vle.f32 v0, v5  }
0x51: {  	v1 =	vsel vm1, v4, v1;
	v3 =	vsel vm1, v3, v4  }
0x52: {  	s13 =	simm.s32 $0x0  }
0x53: {  	v4 =	vld [tilespmem:s13+$0x0];
	_ =	sdelay $0x1  }
0x54: {  	v5 =	vld [tilespmem:s13+$0x10]  }
0x55: {  	v2 =	vld [tilespmem:s13+$0x70]  }
0x56: {  	v6 =	vld [tilespmem:s13+$0x20]  }
0x57: {  	v8 =	vld [tilespmem:s13+$0x30];
	vm3 =	vlt.s32 v1, v4  }
0x58: {  	v7 =	vimm.f32 $0.0e+00;
	v3 =	vld [tilespmem:s13+$0x60];
	v4 =	vnsel vm3, $0x0, v4  }
0x59: {  	v9 =	vld [tilespmem:s13+$0x40];
	vm4 =	vlt.s32 v1, v5;
	v7 =	vadd.f32 v4, v7  }
0x5a: {  	v5 =	vnsel vm4, $0x0, v5  }
0x5b: {  	vm5 =	vlt.s32 v1, v6;
	v4 =	vld [tilespmem:s13+$0x50];
	v5 =	vadd.f32 v5, v7  }
0x5c: {  	vm1 =	vlt.s32 v1, v2;
	vm6 =	vlt.s32 v1, v8;
	v6 =	vnsel vm5, $0x0, v6  }
0x5d: {  	vm2 =	vlt.s32 v1, v3;
	v8 =	vnsel vm6, $0x0, v8;
	v5 =	vadd.f32 v6, v5  }
0x5e: {  	v10 =	vmpcnt.ones.xlane vm4;
	vm4 =	vlt.s32 v1, v9;
	v6 =	vmpcnt.ones.xlane vm3  }
0x5f: {  	v9 =	vnsel vm4, $0x0, v9;
	v7 =	vimm.s32 $0x0;
	v8 =	vadd.f32 v8, v5  }
0x60: {  	vm3 =	vlt.s32 v1, v4;
	v6 =	vadd.s32 v7, v6;
	v5 =	vmpcnt.ones.xlane vm5  }
0x61: {  	s14 =	simm.s32 $0x400;
	s13 =	simm.s32 $0x80;
	v7 =	vadd.s32 v10, v6;
	v6 =	vmpcnt.ones.xlane vm6;
	v8 =	vadd.f32 v9, v8  }
.LBB2_6:
0x62: {  	p0 =	sne.s32 s14, $0xFE00;
	v9 =	vld [tilespmem:s13+$0x0];
	v5 =	vadd.s32 v5, v7;
	v7 =	vmpcnt.ones.xlane vm4;
	v4 =	vnsel vm3, $0x0, v4  }
0x63: {  	v5 =	vadd.s32 v6, v5;
	v4 =	vadd.f32 v4, v8;
	v6 =	vmpcnt.ones.xlane vm3  }
0x64: {  	v3 =	vnsel vm2, $0x0, v3;
	v8 =	vld [tilespmem:s13+$0x10];
	v5 =	vadd.s32 v7, v5;
	v7 =	vmpcnt.ones.xlane vm2  }
0x65: {  	v10 =	vld [tilespmem:s13+$0x70];
	v5 =	vadd.s32 v6, v5;
	v4 =	vadd.f32 v3, v4;
	v6 =	vmpcnt.ones.xlane vm1  }
0x66: {  	v2 =	vnsel vm1, $0x0, v2;
	v11 =	vld [tilespmem:s13+$0x20];
	v5 =	vadd.s32 v7, v5  }
0x67: {  	vm3 =	vlt.s32 v1, v9;
	v3 =	vld [tilespmem:s13+$0x60];
	v12 =	vadd.f32 v2, v4;
	v5 =	vadd.s32 v6, v5  }
0x68: {  	v4 =	vnsel vm3, $0x0, v9;
	v6 =	vld [tilespmem:s13+$0x30]  }
0x69: {  	v7 =	vadd.f32 v4, v12;
	vm4 =	vlt.s32 v1, v8;
	v4 =	vld [tilespmem:s13+$0x50]  }
0x6a: {  	v8 =	vnsel vm4, $0x0, v8;
	v9 =	vld [tilespmem:s13+$0x40];
	v2 =	vmov v10  }
0x6b: {  	v7 =	vadd.f32 v8, v7;
	vm5 =	vlt.s32 v1, v11  }
0x6c: {  	vm1 =	vlt.s32 v1, v2;
	v8 =	vnsel vm5, $0x0, v11  }
.Ltmp2:
0x6d: {  	vm2 =	vlt.s32 v1, v3;
	v7 =	vadd.f32 v8, v7;
	vm6 =	vlt.s32 v1, v6;
	(pc) =	sbr.rel @p0 .LBB2_6-.Ltmp2, $4  }
0x6e: {  	v8 =	vmpcnt.ones.xlane vm3;
	v6 =	vnsel vm6, $0x0, v6;
	vm3 =	vlt.s32 v1, v4  }
0x6f: {  	v10 =	vmpcnt.ones.xlane vm4;
	v11 =	vadd.f32 v6, v7;
	vm4 =	vlt.s32 v1, v9  }
0x70: {  	v6 =	vadd.s32 v5, v8;
	v5 =	vmpcnt.ones.xlane vm5;
	v8 =	vnsel vm4, $0x0, v9  }
0x71: {  	s13 =	sshra.s32 s14, $0x2;
	s14 =	sadd.s32 $0x200, s14;
	v7 =	vadd.s32 v10, v6;
	v6 =	vmpcnt.ones.xlane vm6;
	v8 =	vadd.f32 v8, v11  }
0x72: {  	v9 =	vld [tilespmem:s13+$0x0]  }
0x73: {  	v38 =	vld [tilespmem:s13+$0x10]  }
0x74: {  	v41 =	vld [tilespmem:s13+$0x20]  }
0x75: {  	v4 =	vnsel vm3, $0x0, v4;
	v43 =	vld [tilespmem:s13+$0x70]  }
0x76: {  	v3 =	vnsel vm2, $0x0, v3;
	v39 =	vadd.s32 v5, v7;
	v49 =	vld [tilespmem:s13+$0x50];
	v4 =	vadd.f32 v4, v8  }
0x77: {  	v40 =	vmpcnt.ones.xlane vm4;
	v2 =	vnsel vm1, $0x0, v2;
	v42 =	vmpcnt.ones.xlane vm3  }
0x78: {  	v45 =	vmpcnt.ones.xlane vm2;
	v3 =	vadd.f32 v3, v4;
	v4 =	vadd.s32 v6, v39  }
0x79: {  	v10 =	vld [tilespmem:s13+$0x30];
	v46 =	vmpcnt.ones.xlane vm1;
	v4 =	vadd.s32 v40, v4;
	vm14 =	vlt.s32 v1, v9  }
0x7a: {  	v48 =	vld [tilespmem:s13+$0x40];
	v2 =	vadd.f32 v2, v3;
	vm2 =	vlt.s32 v1, v38;
	v3 =	vadd.s32 v42, v4  }
0x7b: {  	vm1 =	vlt.s32 v1, v41;
	vm3 =	vlt.s32 v1, v43;
	vm15 =	vlt.s32 v1, v49  }
0x7c: {  	v50 =	vld [tilespmem:s13+$0x60];
	v44 =	vnsel vm14, $0x0, v9;
	v47 =	vnsel vm2, $0x0, v38;
	v3 =	vadd.s32 v45, v3  }
0x7d: {  	v51 =	vnsel vm1, $0x0, v41;
	v52 =	vmpcnt.ones.xlane vm14;
	v53 =	vmpcnt.ones.xlane vm2  }
0x7e: {  	vm2 =	vlt.s32 v1, v10;
	v2 =	vadd.f32 v44, v2;
	v3 =	vadd.s32 v46, v3  }
0x7f: {  	v54 =	vmpcnt.ones.xlane vm1;
	vm1 =	vlt.s32 v1, v48;
	v3 =	vadd.s32 v3, v52  }
0x80: {  	v55 =	vmpcnt.ones.xlane vm2;
	v2 =	vadd.f32 v47, v2;
	v3 =	vadd.s32 v53, v3  }
0x81: {  	vm5 =	vlt.s32 v1, v50;
	v56 =	vmpcnt.ones.xlane vm1;
	v3 =	vadd.s32 v54, v3  }
0x82: {  	v57 =	vmpcnt.ones.xlane vm15;
	v2 =	vadd.f32 v51, v2;
	v3 =	vadd.s32 v55, v3  }
0x83: {  	v58 =	vmpcnt.ones.xlane vm5;
	v10 =	vnsel vm2, $0x0, v10;
	v3 =	vadd.s32 v56, v3  }
0x84: {  	v59 =	vmpcnt.ones.xlane vm3;
	v2 =	vadd.f32 v10, v2;
	v3 =	vadd.s32 v57, v3  }
0x85: {  	v8 =	vnsel vm1, $0x0, v48;
	v3 =	vadd.s32 v58, v3  }
0x86: {  	v2 =	vadd.f32 v8, v2;
	v3 =	vadd.s32 v59, v3  }
0x87: {  	v60 =	vnsel vm15, $0x0, v49;
	v3 =	vcvt.s32.f32 v3  }
0x88: {  	v2 =	vadd.f32 v60, v2  }
0x89: {  	v61 =	vnsel vm5, $0x0, v50;
	v3 =	vsub.f32 v0, v3  }
0x8a: {  	v2 =	vadd.f32 v61, v2  }
0x8b: {  	v62 =	vnsel vm3, $0x0, v43;
	v63 =	vmul.f32 v1, v3  }
0x8c: {  	v2 =	vadd.f32 v62, v2  }
0x8d: {  	v1 =	vnsel vm0, $0x0, v63  }
0x8e: {  	v1 =	vadd.f32 v1, v2  }
0x8f: {  	s12 =	sadd.s32 $0x1, s12;
	vm1 =	vge.f32 v0, $1.000000000e+00  }
0x90: {  	p0 =	sne.s32 s12, s6;
	v0 =	vnsel vm1, $0x0, v1  }
.Ltmp3:
0x91: {  	[tilespmem:$0x4080] =	vst v0;
	(pc) =	sbr.rel @p0 .LBB2_1-.Ltmp3, $4  }
0x92: {  	[hbm4b:s5+s2] =	stream.linear.scatter [tilespmem:s11], [sflag:$0x1], $0x80, $0x38;
	[tilespmem:$0x4100] =	vst v63  }
0x93: {  	_ =	swait.ge [sflag:s9], $0x80  }
0x94: {  	[sflag:s9] =	ssyncset.done $0x0  }
0x95: {  	[sflag:s9] =	ssyncadd.s32 $0xFFFFFF80  }
0x96: {  	_ =	sfence.sel $0x180000  }
0x97: {  	[bflag:$0x0] =	sbarrier.arrive $0xFFFF  }
0x98: {  	p0 =	sne.s32 s1, $0x0;
	_ =	strace $0x90000047  }
0x99: {  	s0 =	sadd.s32 @!p0 $0x100000, s0;
	[bflag:$0x2] =	sbarrier.arrive $0xFFFF  }
0x9a: {  	[sflag:s0] =	ssyncadd.tile.s32 @!p0 $0x1;
	_ =	shalt  }
.Lfunc_end2:
_tile_overlayer_lowered:
.L_overlay_start_2:
0x9b: {  	(tag) =	ssettag $0x2  }
0x9c: {  	s0 =	rddreg [dreg:$0x0];
	s2 =	stileid.u32  }
0x9d: {  	s1 =	rddreg [dreg:$0x1];
	p0 =	sne.s32 s2, $0x0  }
0x9e: {  	s3 =	rddreg [dreg:$0x2];
	[bflag:$0x3] =	sbarrier.arrive $0xFFFF;
	s2 =	simm.s32 @!p0 $0x1C01  }
0x9f: {  	[timem:s3], [sflag:s2] =	dma.local @!p0 [hbm:s0], s1  }
0xa0: {  	s0 =	simm.s32 @!p0 $0x1  }
0xa1: {  	_ =	swait.ge @!p0 [sflag:s0], s1  }
0xa2: {  	s1 =	ssub.s32 @!p0 $0x0, s1;
	[sflag:s0] =	ssyncset.done @!p0 $0x0  }
0xa3: {  	[sflag:s0] =	ssyncadd.s32 @!p0 s1  }
0xa4: {  	[bflag:$0x3] =	sbarrier.arrive $0xFFFF  }
0xa5: {  	_ =	shalt  }

</sc_bundles>
